<compile_context>
chip_gen: v7x
topology: tpu7x:2x2x1
jax: 0.10.2.dev20260603
libtpu: 0.0.44.dev20260713+nightly
codegen_flags: <defaults>
</compile_context>

<pallas_src>
import functools

import jax
import jax.numpy as jnp
from jax import lax
from jax.experimental import pallas as pl
from jax.experimental.pallas import tpu as pltpu
from jax.experimental.pallas import tpu_sc as plsc

NEG = -1e30
KSEL = 8



def _topk_body(nk, KB, q_ref, k_ref, idx_out, w_out, rv, ri, qn_s):
    j = pl.program_id(1)
    BQ = q_ref.shape[0]
    NS = KB // 128

    @pl.when(j == 0)
    def _init():
        rv[...] = jnp.full((BQ, KSEL), NEG, jnp.float32)
        ri[...] = jnp.zeros((BQ, KSEL), jnp.float32)
        q = q_ref[...]
        qn_s[...] = q / jnp.maximum(
            jnp.sqrt(jnp.sum(q * q, axis=1, keepdims=True)), 1e-12)

    sim = lax.dot_general(qn_s[...], k_ref[...], (((1,), (1,)), ((), ())),
                          preferred_element_type=jnp.float32)

    lane = lax.broadcasted_iota(jnp.int32, (BQ, 128), 1).astype(jnp.float32)
    base = (j * KB).astype(jnp.float32)

    def piece(c):
        return sim[:, c * 128:(c + 1) * 128], lane + (base + float(c * 128))

    R1, I1 = piece(0)
    R2 = jnp.full((BQ, 128), NEG, jnp.float32)
    I2 = jnp.zeros((BQ, 128), jnp.float32)
    for c in range(1, NS):
        x, xi = piece(c)
        c1 = x > R1
        spillv = jnp.minimum(R1, x)
        spilli = jnp.where(c1, I1, xi)
        R1 = jnp.maximum(R1, x)
        I1 = jnp.where(c1, xi, I1)
        c2 = spillv > R2
        R2 = jnp.maximum(R2, spillv)
        I2 = jnp.where(c2, spilli, I2)

    rvv = rv[...]
    riv = ri[...]
    nv, ni = [], []
    for _ in range(KSEL):
        m = jnp.maximum(jnp.max(R1, axis=1, keepdims=True),
                        jnp.max(rvv, axis=1, keepdims=True))
        eq1 = R1 == m
        eqr = rvv == m
        si = jnp.maximum(
            jnp.max(jnp.where(eq1, I1, -1.0), axis=1, keepdims=True),
            jnp.max(jnp.where(eqr, riv, -1.0), axis=1, keepdims=True))
        nv.append(m)
        ni.append(si)
        c1 = eq1 & (I1 == si)
        R1 = jnp.where(c1, R2, R1)
        I1 = jnp.where(c1, I2, I1)
        R2 = jnp.where(c1, NEG, R2)
        rvv = jnp.where(eqr & (riv == si), NEG, rvv)
    rv[...] = jnp.concatenate(nv, axis=1)
    ri[...] = jnp.concatenate(ni, axis=1)

    @pl.when(j == nk - 1)
    def _fin():
        v = rv[...]
        e = jnp.exp(v - jnp.max(v, axis=1, keepdims=True))
        w_out[...] = e / jnp.sum(e, axis=1, keepdims=True)
        idx_out[...] = ri[...].astype(jnp.int32)


def _prep_body(M, k_ref, o_ref):
    i = pl.program_id(0)
    KB = k_ref.shape[0]
    k = k_ref[...]
    kn = k / jnp.maximum(jnp.sqrt(jnp.sum(k * k, axis=1, keepdims=True)), 1e-12)
    row = i * KB + lax.broadcasted_iota(jnp.int32, k.shape, 0)
    o_ref[...] = jnp.where(row < M, kn, 0.0)


def _prep_keys(keys, MP, KB):
    M, D = keys.shape
    return pl.pallas_call(
        functools.partial(_prep_body, M),
        grid=(MP // KB,),
        in_specs=[pl.BlockSpec((KB, D), lambda i: (i, 0))],
        out_specs=pl.BlockSpec((KB, D), lambda i: (i, 0)),
        out_shape=jax.ShapeDtypeStruct((MP, D), jnp.float32),
    )(keys)


def _topk_call(queries, keys, BQ=2048, KB=5120):
    B, D = queries.shape
    M = keys.shape[0]
    nq = B // BQ
    nk = -(-M // KB)
    MP = nk * KB
    kn = _prep_keys(keys, MP, KB)
    body = functools.partial(_topk_body, nk, KB)
    return pl.pallas_call(
        body,
        grid=(nq, nk),
        in_specs=[
            pl.BlockSpec((BQ, D), lambda i, j: (i, 0)),
            pl.BlockSpec((KB, D), lambda i, j: (j, 0)),
        ],
        out_specs=[
            pl.BlockSpec((BQ, KSEL), lambda i, j: (i, 0)),
            pl.BlockSpec((BQ, KSEL), lambda i, j: (i, 0)),
        ],
        out_shape=[
            jax.ShapeDtypeStruct((B, KSEL), jnp.int32),
            jax.ShapeDtypeStruct((B, KSEL), jnp.float32),
        ],
        scratch_shapes=[
            pltpu.VMEM((BQ, KSEL), jnp.float32),
            pltpu.VMEM((BQ, KSEL), jnp.float32),
            pltpu.VMEM((BQ, D), jnp.float32),
        ],
        compiler_params=pltpu.CompilerParams(
            dimension_semantics=("parallel", "arbitrary")),
    )(queries, kn)



def _gather_call(values, idx_flat):
    NROWS = idx_flat.shape[0]
    D = values.shape[1]
    info = plsc.get_sparse_core_info()
    NW = info.num_cores * info.num_subcores
    b_per_w = NROWS // NW
    CH = 128
    QB = 2 * CH
    nq4 = b_per_w // QB

    mesh = plsc.VectorSubcoreMesh(core_axis_name="c", subcore_axis_name="s")

    @functools.partial(
        pl.kernel, mesh=mesh,
        out_type=jax.ShapeDtypeStruct((NROWS, D), jnp.float32),
        scratch_types=[
            pltpu.VMEM((b_per_w,), jnp.int32),
            pltpu.VMEM((QB, D), jnp.float32),
            pltpu.VMEM((QB, D), jnp.float32),
            pltpu.SemaphoreType.DMA,
            pltpu.SemaphoreType.DMA,
            pltpu.SemaphoreType.DMA,
        ],
    )
    def gather_kernel(values_hbm, idx_hbm, out_hbm, idx_v, rows_a, rows_b,
                      gsem, sa, sb):
        wid = lax.axis_index("s") * info.num_cores + lax.axis_index("c")
        base = wid * b_per_w
        pltpu.sync_copy(idx_hbm.at[pl.ds(base, b_per_w)], idx_v)
        bufs = (rows_a, rows_b)
        sems = (sa, sb)
        stores = [None, None]
        for h in range(nq4):
            buf = bufs[h % 2]
            if stores[h % 2] is not None:
                stores[h % 2].wait()
            cps = [
                pltpu.async_copy(
                    values_hbm.at[idx_v.at[pl.ds(h * QB + c * CH, CH)]],
                    buf.at[pl.ds(c * CH, CH)], gsem)
                for c in range(QB // CH)
            ]
            for cp in cps:
                cp.wait()
            stores[h % 2] = pltpu.async_copy(
                buf, out_hbm.at[pl.ds(base + h * QB, QB)], sems[h % 2])
        for st in stores:
            st.wait()

    return gather_kernel(values, idx_flat)



def _wsum_body(g_ref, w_ref, o_ref):
    w = w_ref[...]
    acc = g_ref[:, 0, :] * w[:, 0:1]
    for t in range(1, KSEL):
        acc = acc + g_ref[:, t, :] * w[:, t:t + 1]
    o_ref[...] = acc


def _wsum_call(gathered, weights, BQ=2048):
    B = weights.shape[0]
    D = gathered.shape[-1]
    return pl.pallas_call(
        _wsum_body,
        grid=(B // BQ,),
        in_specs=[
            pl.BlockSpec((BQ, KSEL, D), lambda i: (i, 0, 0)),
            pl.BlockSpec((BQ, KSEL), lambda i: (i, 0)),
        ],
        out_specs=pl.BlockSpec((BQ, D), lambda i: (i, 0)),
        out_shape=jax.ShapeDtypeStruct((B, D), jnp.float32),
    )(gathered, weights)



def kernel(queries, keys, values, top_k):
    del top_k
    idx, weights = _topk_call(queries, keys)
    gathered = _gather_call(values, idx.reshape(-1))
    gathered = gathered.reshape(weights.shape[0], KSEL, values.shape[1])
    return _wsum_call(gathered, weights)

# --- scband reference (transcript-rebuilt; emitter-appended) ---
"""Pipeline reference for scband-simple-ltm-61804579389943 (READ-ONLY COPY).

The authoritative reference and input builder live on the scoring server;
editing this copy changes nothing except your own understanding.
"""

import jax, jax.numpy as jnp
import numpy as np


def _normalize(x, eps=1e-12):
    n = jnp.linalg.norm(x, axis=-1, keepdims=True)
    return x / jnp.maximum(n, eps)


def setup_inputs(seed: int = 0) -> dict:
    key = jax.random.key(seed)
    k1, k2, k3 = jax.random.split(key, 3)
    queries = jax.random.normal(k1, (4096, 128), dtype=jnp.float32)
    keys = jax.random.normal(k2, (100000, 128), dtype=jnp.float32)
    values = jax.random.normal(k3, (100000, 128), dtype=jnp.float32)
    return {"queries": queries, "keys": keys, "values": values, "top_k": 8}


def reference(queries, keys, values, top_k):
    k = _normalize(keys)
    q = _normalize(queries)
    sim = jnp.matmul(q, k.T)  # [B, M]
    sim = sim + jnp.zeros((), sim.dtype) * top_k
    k_eff = min(8, sim.shape[1])
    vals, idx = jax.lax.top_k(sim, k_eff)  # [B, k], [B, k]
    weights = jax.nn.softmax(vals, axis=-1)
    chosen = jnp.take(values, idx, axis=0)  # [B, k, d_value]
    out = jnp.sum(chosen * weights[..., None], axis=1)  # [B, d_value]
    return out

if __name__ == "__main__":
    import jax
    _d = setup_inputs()
    print(jax.jit(kernel)(*tuple(_d.values())))

</pallas_src>

<mosaic_0001>
#map = affine_map<(d0, d1) -> (0, 0)>
#map1 = affine_map<(d0, d1) -> (0)>
module attributes {stable_mosaic.version = 14 : i64} {
  func.func @gather_kernel(%arg0: i32, %arg1: i32, %arg2: memref<100000x128xf32, #tpu.memory_space<hbm>>, %arg3: memref<32768xi32, #tpu.memory_space<hbm>>, %arg4: memref<32768x128xf32, #tpu.memory_space<hbm>>, %arg5: memref<1024xi32, #tpu.memory_space<vmem>>, %arg6: memref<256x128xf32, #tpu.memory_space<vmem>>, %arg7: memref<256x128xf32, #tpu.memory_space<vmem>>, %arg8: memref<!tpu.dma_semaphore, #tpu.memory_space<semaphore_mem>>, %arg9: memref<!tpu.dma_semaphore, #tpu.memory_space<semaphore_mem>>, %arg10: memref<!tpu.dma_semaphore, #tpu.memory_space<semaphore_mem>>) attributes {dimension_semantics = [#tpu.dimension_semantics<core_parallel>, #tpu.dimension_semantics<subcore_parallel>], iteration_bounds = array<i64: 2, 16>, scalar_prefetch = 0 : i64, scratch_operands = 6 : i64, tpu.core_type = #tpu.core_type<sc_vector_subcore>, window_params = [{transform_indices = #map}, {transform_indices = #map1}, {transform_indices = #map}]} {
    %mul3A = arith.constant 2 : i32
    %mul3A_0 = arith.muli %arg1, %mul3A : i32
    %add3A = arith.addi %mul3A_0, %arg0 : i32
    %mul3A_1 = arith.constant 1024 : i32
    %mul3A_2 = arith.muli %add3A, %mul3A_1 : i32
    "tpu.region"() ({
      %run_scoped3A = tpu.sem_alloc : memref<!tpu.dma_semaphore, #tpu.memory_space<semaphore_mem>>
      %dma_start3A_169 = tpu.memref_slice %arg3[%mul3A_2] : memref<32768xi32, #tpu.memory_space<hbm>> -> memref<1024xi32, #tpu.memory_space<hbm>>
      %dma_start3A_170 = tpu.memref_slice %arg3[%mul3A_2] : memref<32768xi32, #tpu.memory_space<hbm>> -> memref<1024xi32, #tpu.memory_space<hbm>>
      tpu.enqueue_dma source(%dma_start3A_170 : memref<1024xi32, #tpu.memory_space<hbm>>) target(%arg5 : memref<1024xi32, #tpu.memory_space<vmem>>) target_semaphore(%run_scoped3A : memref<!tpu.dma_semaphore, #tpu.memory_space<semaphore_mem>>)
      %dma_wait3A_171 = tpu.memref_slice %arg3[%mul3A_2] : memref<32768xi32, #tpu.memory_space<hbm>> -> memref<1024xi32, #tpu.memory_space<hbm>>
      %dma_wait3A_172 = tpu.memref_slice %arg3[%mul3A_2] : memref<32768xi32, #tpu.memory_space<hbm>> -> memref<1024xi32, #tpu.memory_space<hbm>>
      tpu.wait_dma2 semaphore(%run_scoped3A : memref<!tpu.dma_semaphore, #tpu.memory_space<semaphore_mem>>) src(%dma_wait3A_172 : memref<1024xi32, #tpu.memory_space<hbm>>) dst(%arg5 : memref<1024xi32, #tpu.memory_space<vmem>>)
      tpu.yield
    }) : () -> ()
    %dma_start3A = arith.constant 0 : i32
    %dma_start3A_3 = arith.constant 0 : i32
    %dma_start3A_4 = tpu.memref_slice %arg6[%dma_start3A, %dma_start3A_3] : memref<256x128xf32, #tpu.memory_space<vmem>> -> memref<128x128xf32, #tpu.memory_space<vmem>>
    %dma_start3A_5 = arith.constant 0 : i32
    %dma_start3A_6 = tpu.memref_slice %arg5[%dma_start3A_5] : memref<1024xi32, #tpu.memory_space<vmem>> -> memref<128xi32, #tpu.memory_space<vmem>>
    %dma_start3A_7 = arith.constant 0 : i32
    %dma_start3A_8 = arith.constant 0 : i32
    %dma_start3A_9 = tpu.memref_slice %arg2[%dma_start3A_7, %dma_start3A_8] : memref<100000x128xf32, #tpu.memory_space<hbm>> -> memref<100000x128xf32, #tpu.memory_space<hbm>>
    tpu.enqueue_indirect_dma source(%dma_start3A_9 : memref<100000x128xf32, #tpu.memory_space<hbm>>) target(%dma_start3A_4 : memref<128x128xf32, #tpu.memory_space<vmem>>) offsets(%dma_start3A_6 : memref<128xi32, #tpu.memory_space<vmem>>) semaphore(%arg8 : memref<!tpu.dma_semaphore, #tpu.memory_space<semaphore_mem>>)
    %dma_start3A_10 = arith.constant 128 : i32
    %dma_start3A_11 = arith.constant 0 : i32
    %dma_start3A_12 = tpu.memref_slice %arg6[%dma_start3A_10, %dma_start3A_11] : memref<256x128xf32, #tpu.memory_space<vmem>> -> memref<128x128xf32, #tpu.memory_space<vmem>>
    %dma_start3A_13 = arith.constant 128 : i32
    %dma_start3A_14 = tpu.memref_slice %arg5[%dma_start3A_13] : memref<1024xi32, #tpu.memory_space<vmem>> -> memref<128xi32, #tpu.memory_space<vmem>>
    %dma_start3A_15 = arith.constant 0 : i32
    %dma_start3A_16 = arith.constant 0 : i32
    %dma_start3A_17 = tpu.memref_slice %arg2[%dma_start3A_15, %dma_start3A_16] : memref<100000x128xf32, #tpu.memory_space<hbm>> -> memref<100000x128xf32, #tpu.memory_space<hbm>>
    tpu.enqueue_indirect_dma source(%dma_start3A_17 : memref<100000x128xf32, #tpu.memory_space<hbm>>) target(%dma_start3A_12 : memref<128x128xf32, #tpu.memory_space<vmem>>) offsets(%dma_start3A_14 : memref<128xi32, #tpu.memory_space<vmem>>) semaphore(%arg8 : memref<!tpu.dma_semaphore, #tpu.memory_space<semaphore_mem>>)
    %dma_wait3A = arith.constant 0 : i32
    %dma_wait3A_18 = arith.constant 0 : i32
    %dma_wait3A_19 = tpu.memref_slice %arg6[%dma_wait3A, %dma_wait3A_18] : memref<256x128xf32, #tpu.memory_space<vmem>> -> memref<128x128xf32, #tpu.memory_space<vmem>>
    %dma_wait3A_20 = arith.constant 0 : i32
    %dma_wait3A_21 = tpu.memref_slice %arg5[%dma_wait3A_20] : memref<1024xi32, #tpu.memory_space<vmem>> -> memref<128xi32, #tpu.memory_space<vmem>>
    %dma_wait3A_22 = arith.constant 0 : i32
    %dma_wait3A_23 = arith.constant 0 : i32
    %dma_wait3A_24 = tpu.memref_slice %arg2[%dma_wait3A_22, %dma_wait3A_23] : memref<100000x128xf32, #tpu.memory_space<hbm>> -> memref<100000x128xf32, #tpu.memory_space<hbm>>
    tpu.wait_indirect_dma semaphore(%arg8 : memref<!tpu.dma_semaphore, #tpu.memory_space<semaphore_mem>>) src(%dma_wait3A_24 : memref<100000x128xf32, #tpu.memory_space<hbm>>) dst(%dma_wait3A_19 : memref<128x128xf32, #tpu.memory_space<vmem>>)
    %dma_wait3A_25 = arith.constant 128 : i32
    %dma_wait3A_26 = arith.constant 0 : i32
    %dma_wait3A_27 = tpu.memref_slice %arg6[%dma_wait3A_25, %dma_wait3A_26] : memref<256x128xf32, #tpu.memory_space<vmem>> -> memref<128x128xf32, #tpu.memory_space<vmem>>
    %dma_wait3A_28 = arith.constant 128 : i32
    %dma_wait3A_29 = tpu.memref_slice %arg5[%dma_wait3A_28] : memref<1024xi32, #tpu.memory_space<vmem>> -> memref<128xi32, #tpu.memory_space<vmem>>
    %dma_wait3A_30 = arith.constant 0 : i32
    %dma_wait3A_31 = arith.constant 0 : i32
    %dma_wait3A_32 = tpu.memref_slice %arg2[%dma_wait3A_30, %dma_wait3A_31] : memref<100000x128xf32, #tpu.memory_space<hbm>> -> memref<100000x128xf32, #tpu.memory_space<hbm>>
    tpu.wait_indirect_dma semaphore(%arg8 : memref<!tpu.dma_semaphore, #tpu.memory_space<semaphore_mem>>) src(%dma_wait3A_32 : memref<100000x128xf32, #tpu.memory_space<hbm>>) dst(%dma_wait3A_27 : memref<128x128xf32, #tpu.memory_space<vmem>>)
    %add3A_33 = arith.constant 0 : i32
    %add3A_34 = arith.addi %mul3A_2, %add3A_33 : i32
    %dma_start3A_35 = arith.constant 0 : i32
    %dma_start3A_36 = tpu.memref_slice %arg4[%add3A_34, %dma_start3A_35] : memref<32768x128xf32, #tpu.memory_space<hbm>> -> memref<256x128xf32, #tpu.memory_space<hbm>>
    %dma_start3A_37 = arith.constant 0 : i32
    %dma_start3A_38 = tpu.memref_slice %arg4[%add3A_34, %dma_start3A_37] : memref<32768x128xf32, #tpu.memory_space<hbm>> -> memref<256x128xf32, #tpu.memory_space<hbm>>
    tpu.enqueue_dma source(%arg6 : memref<256x128xf32, #tpu.memory_space<vmem>>) target(%dma_start3A_38 : memref<256x128xf32, #tpu.memory_space<hbm>>) target_semaphore(%arg9 : memref<!tpu.dma_semaphore, #tpu.memory_space<semaphore_mem>>)
    %dma_start3A_39 = arith.constant 0 : i32
    %dma_start3A_40 = arith.constant 0 : i32
    %dma_start3A_41 = tpu.memref_slice %arg7[%dma_start3A_39, %dma_start3A_40] : memref<256x128xf32, #tpu.memory_space<vmem>> -> memref<128x128xf32, #tpu.memory_space<vmem>>
    %dma_start3A_42 = arith.constant 256 : i32
    %dma_start3A_43 = tpu.memref_slice %arg5[%dma_start3A_42] : memref<1024xi32, #tpu.memory_space<vmem>> -> memref<128xi32, #tpu.memory_space<vmem>>
    %dma_start3A_44 = arith.constant 0 : i32
    %dma_start3A_45 = arith.constant 0 : i32
    %dma_start3A_46 = tpu.memref_slice %arg2[%dma_start3A_44, %dma_start3A_45] : memref<100000x128xf32, #tpu.memory_space<hbm>> -> memref<100000x128xf32, #tpu.memory_space<hbm>>
    tpu.enqueue_indirect_dma source(%dma_start3A_46 : memref<100000x128xf32, #tpu.memory_space<hbm>>) target(%dma_start3A_41 : memref<128x128xf32, #tpu.memory_space<vmem>>) offsets(%dma_start3A_43 : memref<128xi32, #tpu.memory_space<vmem>>) semaphore(%arg8 : memref<!tpu.dma_semaphore, #tpu.memory_space<semaphore_mem>>)
    %dma_start3A_47 = arith.constant 128 : i32
    %dma_start3A_48 = arith.constant 0 : i32
    %dma_start3A_49 = tpu.memref_slice %arg7[%dma_start3A_47, %dma_start3A_48] : memref<256x128xf32, #tpu.memory_space<vmem>> -> memref<128x128xf32, #tpu.memory_space<vmem>>
    %dma_start3A_50 = arith.constant 384 : i32
    %dma_start3A_51 = tpu.memref_slice %arg5[%dma_start3A_50] : memref<1024xi32, #tpu.memory_space<vmem>> -> memref<128xi32, #tpu.memory_space<vmem>>
    %dma_start3A_52 = arith.constant 0 : i32
    %dma_start3A_53 = arith.constant 0 : i32
    %dma_start3A_54 = tpu.memref_slice %arg2[%dma_start3A_52, %dma_start3A_53] : memref<100000x128xf32, #tpu.memory_space<hbm>> -> memref<100000x128xf32, #tpu.memory_space<hbm>>
    tpu.enqueue_indirect_dma source(%dma_start3A_54 : memref<100000x128xf32, #tpu.memory_space<hbm>>) target(%dma_start3A_49 : memref<128x128xf32, #tpu.memory_space<vmem>>) offsets(%dma_start3A_51 : memref<128xi32, #tpu.memory_space<vmem>>) semaphore(%arg8 : memref<!tpu.dma_semaphore, #tpu.memory_space<semaphore_mem>>)
    %dma_wait3A_55 = arith.constant 0 : i32
    %dma_wait3A_56 = arith.constant 0 : i32
    %dma_wait3A_57 = tpu.memref_slice %arg7[%dma_wait3A_55, %dma_wait3A_56] : memref<256x128xf32, #tpu.memory_space<vmem>> -> memref<128x128xf32, #tpu.memory_space<vmem>>
    %dma_wait3A_58 = arith.constant 256 : i32
    %dma_wait3A_59 = tpu.memref_slice %arg5[%dma_wait3A_58] : memref<1024xi32, #tpu.memory_space<vmem>> -> memref<128xi32, #tpu.memory_space<vmem>>
    %dma_wait3A_60 = arith.constant 0 : i32
    %dma_wait3A_61 = arith.constant 0 : i32
    %dma_wait3A_62 = tpu.memref_slice %arg2[%dma_wait3A_60, %dma_wait3A_61] : memref<100000x128xf32, #tpu.memory_space<hbm>> -> memref<100000x128xf32, #tpu.memory_space<hbm>>
    tpu.wait_indirect_dma semaphore(%arg8 : memref<!tpu.dma_semaphore, #tpu.memory_space<semaphore_mem>>) src(%dma_wait3A_62 : memref<100000x128xf32, #tpu.memory_space<hbm>>) dst(%dma_wait3A_57 : memref<128x128xf32, #tpu.memory_space<vmem>>)
    %dma_wait3A_63 = arith.constant 128 : i32
    %dma_wait3A_64 = arith.constant 0 : i32
    %dma_wait3A_65 = tpu.memref_slice %arg7[%dma_wait3A_63, %dma_wait3A_64] : memref<256x128xf32, #tpu.memory_space<vmem>> -> memref<128x128xf32, #tpu.memory_space<vmem>>
    %dma_wait3A_66 = arith.constant 384 : i32
    %dma_wait3A_67 = tpu.memref_slice %arg5[%dma_wait3A_66] : memref<1024xi32, #tpu.memory_space<vmem>> -> memref<128xi32, #tpu.memory_space<vmem>>
    %dma_wait3A_68 = arith.constant 0 : i32
    %dma_wait3A_69 = arith.constant 0 : i32
    %dma_wait3A_70 = tpu.memref_slice %arg2[%dma_wait3A_68, %dma_wait3A_69] : memref<100000x128xf32, #tpu.memory_space<hbm>> -> memref<100000x128xf32, #tpu.memory_space<hbm>>
    tpu.wait_indirect_dma semaphore(%arg8 : memref<!tpu.dma_semaphore, #tpu.memory_space<semaphore_mem>>) src(%dma_wait3A_70 : memref<100000x128xf32, #tpu.memory_space<hbm>>) dst(%dma_wait3A_65 : memref<128x128xf32, #tpu.memory_space<vmem>>)
    %add3A_71 = arith.constant 256 : i32
    %add3A_72 = arith.addi %mul3A_2, %add3A_71 : i32
    %dma_start3A_73 = arith.constant 0 : i32
    %dma_start3A_74 = tpu.memref_slice %arg4[%add3A_72, %dma_start3A_73] : memref<32768x128xf32, #tpu.memory_space<hbm>> -> memref<256x128xf32, #tpu.memory_space<hbm>>
    %dma_start3A_75 = arith.constant 0 : i32
    %dma_start3A_76 = tpu.memref_slice %arg4[%add3A_72, %dma_start3A_75] : memref<32768x128xf32, #tpu.memory_space<hbm>> -> memref<256x128xf32, #tpu.memory_space<hbm>>
    tpu.enqueue_dma source(%arg7 : memref<256x128xf32, #tpu.memory_space<vmem>>) target(%dma_start3A_76 : memref<256x128xf32, #tpu.memory_space<hbm>>) target_semaphore(%arg10 : memref<!tpu.dma_semaphore, #tpu.memory_space<semaphore_mem>>)
    %dma_wait3A_77 = arith.constant 0 : i32
    %dma_wait3A_78 = tpu.memref_slice %arg4[%add3A_34, %dma_wait3A_77] : memref<32768x128xf32, #tpu.memory_space<hbm>> -> memref<256x128xf32, #tpu.memory_space<hbm>>
    %dma_wait3A_79 = arith.constant 0 : i32
    %dma_wait3A_80 = tpu.memref_slice %arg4[%add3A_34, %dma_wait3A_79] : memref<32768x128xf32, #tpu.memory_space<hbm>> -> memref<256x128xf32, #tpu.memory_space<hbm>>
    tpu.wait_dma2 semaphore(%arg9 : memref<!tpu.dma_semaphore, #tpu.memory_space<semaphore_mem>>) src(%arg6 : memref<256x128xf32, #tpu.memory_space<vmem>>) dst(%dma_wait3A_80 : memref<256x128xf32, #tpu.memory_space<hbm>>)
    %dma_start3A_81 = arith.constant 0 : i32
    %dma_start3A_82 = arith.constant 0 : i32
    %dma_start3A_83 = tpu.memref_slice %arg6[%dma_start3A_81, %dma_start3A_82] : memref<256x128xf32, #tpu.memory_space<vmem>> -> memref<128x128xf32, #tpu.memory_space<vmem>>
    %dma_start3A_84 = arith.constant 512 : i32
    %dma_start3A_85 = tpu.memref_slice %arg5[%dma_start3A_84] : memref<1024xi32, #tpu.memory_space<vmem>> -> memref<128xi32, #tpu.memory_space<vmem>>
    %dma_start3A_86 = arith.constant 0 : i32
    %dma_start3A_87 = arith.constant 0 : i32
    %dma_start3A_88 = tpu.memref_slice %arg2[%dma_start3A_86, %dma_start3A_87] : memref<100000x128xf32, #tpu.memory_space<hbm>> -> memref<100000x128xf32, #tpu.memory_space<hbm>>
    tpu.enqueue_indirect_dma source(%dma_start3A_88 : memref<100000x128xf32, #tpu.memory_space<hbm>>) target(%dma_start3A_83 : memref<128x128xf32, #tpu.memory_space<vmem>>) offsets(%dma_start3A_85 : memref<128xi32, #tpu.memory_space<vmem>>) semaphore(%arg8 : memref<!tpu.dma_semaphore, #tpu.memory_space<semaphore_mem>>)
    %dma_start3A_89 = arith.constant 128 : i32
    %dma_start3A_90 = arith.constant 0 : i32
    %dma_start3A_91 = tpu.memref_slice %arg6[%dma_start3A_89, %dma_start3A_90] : memref<256x128xf32, #tpu.memory_space<vmem>> -> memref<128x128xf32, #tpu.memory_space<vmem>>
    %dma_start3A_92 = arith.constant 640 : i32
    %dma_start3A_93 = tpu.memref_slice %arg5[%dma_start3A_92] : memref<1024xi32, #tpu.memory_space<vmem>> -> memref<128xi32, #tpu.memory_space<vmem>>
    %dma_start3A_94 = arith.constant 0 : i32
    %dma_start3A_95 = arith.constant 0 : i32
    %dma_start3A_96 = tpu.memref_slice %arg2[%dma_start3A_94, %dma_start3A_95] : memref<100000x128xf32, #tpu.memory_space<hbm>> -> memref<100000x128xf32, #tpu.memory_space<hbm>>
    tpu.enqueue_indirect_dma source(%dma_start3A_96 : memref<100000x128xf32, #tpu.memory_space<hbm>>) target(%dma_start3A_91 : memref<128x128xf32, #tpu.memory_space<vmem>>) offsets(%dma_start3A_93 : memref<128xi32, #tpu.memory_space<vmem>>) semaphore(%arg8 : memref<!tpu.dma_semaphore, #tpu.memory_space<semaphore_mem>>)
    %dma_wait3A_97 = arith.constant 0 : i32
    %dma_wait3A_98 = arith.constant 0 : i32
    %dma_wait3A_99 = tpu.memref_slice %arg6[%dma_wait3A_97, %dma_wait3A_98] : memref<256x128xf32, #tpu.memory_space<vmem>> -> memref<128x128xf32, #tpu.memory_space<vmem>>
    %dma_wait3A_100 = arith.constant 512 : i32
    %dma_wait3A_101 = tpu.memref_slice %arg5[%dma_wait3A_100] : memref<1024xi32, #tpu.memory_space<vmem>> -> memref<128xi32, #tpu.memory_space<vmem>>
    %dma_wait3A_102 = arith.constant 0 : i32
    %dma_wait3A_103 = arith.constant 0 : i32
    %dma_wait3A_104 = tpu.memref_slice %arg2[%dma_wait3A_102, %dma_wait3A_103] : memref<100000x128xf32, #tpu.memory_space<hbm>> -> memref<100000x128xf32, #tpu.memory_space<hbm>>
    tpu.wait_indirect_dma semaphore(%arg8 : memref<!tpu.dma_semaphore, #tpu.memory_space<semaphore_mem>>) src(%dma_wait3A_104 : memref<100000x128xf32, #tpu.memory_space<hbm>>) dst(%dma_wait3A_99 : memref<128x128xf32, #tpu.memory_space<vmem>>)
    %dma_wait3A_105 = arith.constant 128 : i32
    %dma_wait3A_106 = arith.constant 0 : i32
    %dma_wait3A_107 = tpu.memref_slice %arg6[%dma_wait3A_105, %dma_wait3A_106] : memref<256x128xf32, #tpu.memory_space<vmem>> -> memref<128x128xf32, #tpu.memory_space<vmem>>
    %dma_wait3A_108 = arith.constant 640 : i32
    %dma_wait3A_109 = tpu.memref_slice %arg5[%dma_wait3A_108] : memref<1024xi32, #tpu.memory_space<vmem>> -> memref<128xi32, #tpu.memory_space<vmem>>
    %dma_wait3A_110 = arith.constant 0 : i32
    %dma_wait3A_111 = arith.constant 0 : i32
    %dma_wait3A_112 = tpu.memref_slice %arg2[%dma_wait3A_110, %dma_wait3A_111] : memref<100000x128xf32, #tpu.memory_space<hbm>> -> memref<100000x128xf32, #tpu.memory_space<hbm>>
    tpu.wait_indirect_dma semaphore(%arg8 : memref<!tpu.dma_semaphore, #tpu.memory_space<semaphore_mem>>) src(%dma_wait3A_112 : memref<100000x128xf32, #tpu.memory_space<hbm>>) dst(%dma_wait3A_107 : memref<128x128xf32, #tpu.memory_space<vmem>>)
    %add3A_113 = arith.constant 512 : i32
    %add3A_114 = arith.addi %mul3A_2, %add3A_113 : i32
    %dma_start3A_115 = arith.constant 0 : i32
    %dma_start3A_116 = tpu.memref_slice %arg4[%add3A_114, %dma_start3A_115] : memref<32768x128xf32, #tpu.memory_space<hbm>> -> memref<256x128xf32, #tpu.memory_space<hbm>>
    %dma_start3A_117 = arith.constant 0 : i32
    %dma_start3A_118 = tpu.memref_slice %arg4[%add3A_114, %dma_start3A_117] : memref<32768x128xf32, #tpu.memory_space<hbm>> -> memref<256x128xf32, #tpu.memory_space<hbm>>
    tpu.enqueue_dma source(%arg6 : memref<256x128xf32, #tpu.memory_space<vmem>>) target(%dma_start3A_118 : memref<256x128xf32, #tpu.memory_space<hbm>>) target_semaphore(%arg9 : memref<!tpu.dma_semaphore, #tpu.memory_space<semaphore_mem>>)
    %dma_wait3A_119 = arith.constant 0 : i32
    %dma_wait3A_120 = tpu.memref_slice %arg4[%add3A_72, %dma_wait3A_119] : memref<32768x128xf32, #tpu.memory_space<hbm>> -> memref<256x128xf32, #tpu.memory_space<hbm>>
    %dma_wait3A_121 = arith.constant 0 : i32
    %dma_wait3A_122 = tpu.memref_slice %arg4[%add3A_72, %dma_wait3A_121] : memref<32768x128xf32, #tpu.memory_space<hbm>> -> memref<256x128xf32, #tpu.memory_space<hbm>>
    tpu.wait_dma2 semaphore(%arg10 : memref<!tpu.dma_semaphore, #tpu.memory_space<semaphore_mem>>) src(%arg7 : memref<256x128xf32, #tpu.memory_space<vmem>>) dst(%dma_wait3A_122 : memref<256x128xf32, #tpu.memory_space<hbm>>)
    %dma_start3A_123 = arith.constant 0 : i32
    %dma_start3A_124 = arith.constant 0 : i32
    %dma_start3A_125 = tpu.memref_slice %arg7[%dma_start3A_123, %dma_start3A_124] : memref<256x128xf32, #tpu.memory_space<vmem>> -> memref<128x128xf32, #tpu.memory_space<vmem>>
    %dma_start3A_126 = arith.constant 768 : i32
    %dma_start3A_127 = tpu.memref_slice %arg5[%dma_start3A_126] : memref<1024xi32, #tpu.memory_space<vmem>> -> memref<128xi32, #tpu.memory_space<vmem>>
    %dma_start3A_128 = arith.constant 0 : i32
    %dma_start3A_129 = arith.constant 0 : i32
    %dma_start3A_130 = tpu.memref_slice %arg2[%dma_start3A_128, %dma_start3A_129] : memref<100000x128xf32, #tpu.memory_space<hbm>> -> memref<100000x128xf32, #tpu.memory_space<hbm>>
    tpu.enqueue_indirect_dma source(%dma_start3A_130 : memref<100000x128xf32, #tpu.memory_space<hbm>>) target(%dma_start3A_125 : memref<128x128xf32, #tpu.memory_space<vmem>>) offsets(%dma_start3A_127 : memref<128xi32, #tpu.memory_space<vmem>>) semaphore(%arg8 : memref<!tpu.dma_semaphore, #tpu.memory_space<semaphore_mem>>)
    %dma_start3A_131 = arith.constant 128 : i32
    %dma_start3A_132 = arith.constant 0 : i32
    %dma_start3A_133 = tpu.memref_slice %arg7[%dma_start3A_131, %dma_start3A_132] : memref<256x128xf32, #tpu.memory_space<vmem>> -> memref<128x128xf32, #tpu.memory_space<vmem>>
    %dma_start3A_134 = arith.constant 896 : i32
    %dma_start3A_135 = tpu.memref_slice %arg5[%dma_start3A_134] : memref<1024xi32, #tpu.memory_space<vmem>> -> memref<128xi32, #tpu.memory_space<vmem>>
    %dma_start3A_136 = arith.constant 0 : i32
    %dma_start3A_137 = arith.constant 0 : i32
    %dma_start3A_138 = tpu.memref_slice %arg2[%dma_start3A_136, %dma_start3A_137] : memref<100000x128xf32, #tpu.memory_space<hbm>> -> memref<100000x128xf32, #tpu.memory_space<hbm>>
    tpu.enqueue_indirect_dma source(%dma_start3A_138 : memref<100000x128xf32, #tpu.memory_space<hbm>>) target(%dma_start3A_133 : memref<128x128xf32, #tpu.memory_space<vmem>>) offsets(%dma_start3A_135 : memref<128xi32, #tpu.memory_space<vmem>>) semaphore(%arg8 : memref<!tpu.dma_semaphore, #tpu.memory_space<semaphore_mem>>)
    %dma_wait3A_139 = arith.constant 0 : i32
    %dma_wait3A_140 = arith.constant 0 : i32
    %dma_wait3A_141 = tpu.memref_slice %arg7[%dma_wait3A_139, %dma_wait3A_140] : memref<256x128xf32, #tpu.memory_space<vmem>> -> memref<128x128xf32, #tpu.memory_space<vmem>>
    %dma_wait3A_142 = arith.constant 768 : i32
    %dma_wait3A_143 = tpu.memref_slice %arg5[%dma_wait3A_142] : memref<1024xi32, #tpu.memory_space<vmem>> -> memref<128xi32, #tpu.memory_space<vmem>>
    %dma_wait3A_144 = arith.constant 0 : i32
    %dma_wait3A_145 = arith.constant 0 : i32
    %dma_wait3A_146 = tpu.memref_slice %arg2[%dma_wait3A_144, %dma_wait3A_145] : memref<100000x128xf32, #tpu.memory_space<hbm>> -> memref<100000x128xf32, #tpu.memory_space<hbm>>
    tpu.wait_indirect_dma semaphore(%arg8 : memref<!tpu.dma_semaphore, #tpu.memory_space<semaphore_mem>>) src(%dma_wait3A_146 : memref<100000x128xf32, #tpu.memory_space<hbm>>) dst(%dma_wait3A_141 : memref<128x128xf32, #tpu.memory_space<vmem>>)
    %dma_wait3A_147 = arith.constant 128 : i32
    %dma_wait3A_148 = arith.constant 0 : i32
    %dma_wait3A_149 = tpu.memref_slice %arg7[%dma_wait3A_147, %dma_wait3A_148] : memref<256x128xf32, #tpu.memory_space<vmem>> -> memref<128x128xf32, #tpu.memory_space<vmem>>
    %dma_wait3A_150 = arith.constant 896 : i32
    %dma_wait3A_151 = tpu.memref_slice %arg5[%dma_wait3A_150] : memref<1024xi32, #tpu.memory_space<vmem>> -> memref<128xi32, #tpu.memory_space<vmem>>
    %dma_wait3A_152 = arith.constant 0 : i32
    %dma_wait3A_153 = arith.constant 0 : i32
    %dma_wait3A_154 = tpu.memref_slice %arg2[%dma_wait3A_152, %dma_wait3A_153] : memref<100000x128xf32, #tpu.memory_space<hbm>> -> memref<100000x128xf32, #tpu.memory_space<hbm>>
    tpu.wait_indirect_dma semaphore(%arg8 : memref<!tpu.dma_semaphore, #tpu.memory_space<semaphore_mem>>) src(%dma_wait3A_154 : memref<100000x128xf32, #tpu.memory_space<hbm>>) dst(%dma_wait3A_149 : memref<128x128xf32, #tpu.memory_space<vmem>>)
    %add3A_155 = arith.constant 768 : i32
    %add3A_156 = arith.addi %mul3A_2, %add3A_155 : i32
    %dma_start3A_157 = arith.constant 0 : i32
    %dma_start3A_158 = tpu.memref_slice %arg4[%add3A_156, %dma_start3A_157] : memref<32768x128xf32, #tpu.memory_space<hbm>> -> memref<256x128xf32, #tpu.memory_space<hbm>>
    %dma_start3A_159 = arith.constant 0 : i32
    %dma_start3A_160 = tpu.memref_slice %arg4[%add3A_156, %dma_start3A_159] : memref<32768x128xf32, #tpu.memory_space<hbm>> -> memref<256x128xf32, #tpu.memory_space<hbm>>
    tpu.enqueue_dma source(%arg7 : memref<256x128xf32, #tpu.memory_space<vmem>>) target(%dma_start3A_160 : memref<256x128xf32, #tpu.memory_space<hbm>>) target_semaphore(%arg10 : memref<!tpu.dma_semaphore, #tpu.memory_space<semaphore_mem>>)
    %dma_wait3A_161 = arith.constant 0 : i32
    %dma_wait3A_162 = tpu.memref_slice %arg4[%add3A_114, %dma_wait3A_161] : memref<32768x128xf32, #tpu.memory_space<hbm>> -> memref<256x128xf32, #tpu.memory_space<hbm>>
    %dma_wait3A_163 = arith.constant 0 : i32
    %dma_wait3A_164 = tpu.memref_slice %arg4[%add3A_114, %dma_wait3A_163] : memref<32768x128xf32, #tpu.memory_space<hbm>> -> memref<256x128xf32, #tpu.memory_space<hbm>>
    tpu.wait_dma2 semaphore(%arg9 : memref<!tpu.dma_semaphore, #tpu.memory_space<semaphore_mem>>) src(%arg6 : memref<256x128xf32, #tpu.memory_space<vmem>>) dst(%dma_wait3A_164 : memref<256x128xf32, #tpu.memory_space<hbm>>)
    %dma_wait3A_165 = arith.constant 0 : i32
    %dma_wait3A_166 = tpu.memref_slice %arg4[%add3A_156, %dma_wait3A_165] : memref<32768x128xf32, #tpu.memory_space<hbm>> -> memref<256x128xf32, #tpu.memory_space<hbm>>
    %dma_wait3A_167 = arith.constant 0 : i32
    %dma_wait3A_168 = tpu.memref_slice %arg4[%add3A_156, %dma_wait3A_167] : memref<32768x128xf32, #tpu.memory_space<hbm>> -> memref<256x128xf32, #tpu.memory_space<hbm>>
    tpu.wait_dma2 semaphore(%arg10 : memref<!tpu.dma_semaphore, #tpu.memory_space<semaphore_mem>>) src(%arg7 : memref<256x128xf32, #tpu.memory_space<vmem>>) dst(%dma_wait3A_168 : memref<256x128xf32, #tpu.memory_space<hbm>>)
    return
  }
}

module attributes {stable_mosaic.version = 14 : i64} {
  func.func @_prep_body(%arg0: i32, %arg1: memref<5120x128xf32, #tpu.memory_space<vmem>>, %arg2: memref<5120x128xf32, #tpu.memory_space<vmem>>) attributes {dimension_semantics = [#tpu.dimension_semantics<arbitrary>], iteration_bounds = array<i64: 20>, scalar_prefetch = 0 : i64, scratch_operands = 0 : i64, tpu.core_type = #tpu.core_type<tc>, window_params = [{transform_indices = @transform_0, window_bounds = array<i64: 5120, 128>}, {transform_indices = @transform_1, window_bounds = array<i64: 5120, 128>}]} {
    %get3A = arith.constant 0 : index
    %get3A_0 = arith.constant 0 : index
    %get3A_1 = vector.load %arg1[%get3A, %get3A_0] : memref<5120x128xf32, #tpu.memory_space<vmem>>, vector<5120x128xf32>
    %mul3A = arith.mulf %get3A_1, %get3A_1 : vector<5120x128xf32>
    %reduce_sum3A = arith.constant dense<0.000000e+00> : vector<5120xf32>
    %reduce_sum3A_2 = vector.multi_reduction <add>, %mul3A, %reduce_sum3A [1] : vector<5120x128xf32> to vector<5120xf32>
    %broadcast_in_dim3A = vector.shape_cast %reduce_sum3A_2 : vector<5120xf32> to vector<5120x1xf32>
    %sqrt3A = math.sqrt %broadcast_in_dim3A : vector<5120x1xf32>
    %max3A = arith.constant 9.99999996E-13 : f32
    %max3A_3 = vector.broadcast %max3A : f32 to vector<5120x1xf32>
    %max3A_4 = arith.maximumf %sqrt3A, %max3A_3 : vector<5120x1xf32>
    %div3A = vector.broadcast %max3A_4 : vector<5120x1xf32> to vector<5120x128xf32>
    %div3A_5 = arith.divf %get3A_1, %div3A : vector<5120x128xf32>
    %mul3A_6 = arith.constant 5120 : i32
    %mul3A_7 = arith.muli %arg0, %mul3A_6 : i32
    %iota3A = tpu.iota {dimensions = array<i32: 0>} : vector<5120x128xi32>
    %add3A = vector.broadcast %mul3A_7 : i32 to vector<5120x128xi32>
    %add3A_8 = arith.addi %add3A, %iota3A : vector<5120x128xi32>
    %lt3A = arith.constant 100000 : i32
    %lt3A_9 = vector.broadcast %lt3A : i32 to vector<5120x128xi32>
    %lt3A_10 = arith.cmpi slt, %add3A_8, %lt3A_9 : vector<5120x128xi32>
    %jit3A = arith.constant 0.000000e+00 : f32
    %broadcast_in_dim3A_11 = vector.broadcast %jit3A : f32 to vector<5120x128xf32>
    %select_n3A = arith.select %lt3A_10, %div3A_5, %broadcast_in_dim3A_11 : vector<5120x128xi1>, vector<5120x128xf32>
    %swap3A = arith.constant 0 : index
    %swap3A_12 = arith.constant 0 : index
    %swap3A_13 = vector.load %arg2[%swap3A, %swap3A_12] : memref<5120x128xf32, #tpu.memory_space<vmem>>, vector<5120x128xf32>
    tpu.vector_store %arg2[%swap3A, %swap3A_12], %select_n3A {strides = array<i32>} : memref<5120x128xf32, #tpu.memory_space<vmem>>, vector<5120x128xf32>,
    return
  }
  func.func @transform_0(%arg0: i32) -> (i32, i32) {
    %c0_i32 = arith.constant 0 : i32
    %c0_i32_0 = arith.constant 0 : i32
    return %arg0, %c0_i32 : i32, i32
  }
  func.func @transform_1(%arg0: i32) -> (i32, i32) {
    %c0_i32 = arith.constant 0 : i32
    %c0_i32_0 = arith.constant 0 : i32
    return %arg0, %c0_i32 : i32, i32
  }
}

module attributes {stable_mosaic.version = 14 : i64} {
  func.func @_topk_body(%arg0: i32, %arg1: i32, %arg2: memref<2048x128xf32, #tpu.memory_space<vmem>>, %arg3: memref<5120x128xf32, #tpu.memory_space<vmem>>, %arg4: memref<2048x8xi32, #tpu.memory_space<vmem>>, %arg5: memref<2048x8xf32, #tpu.memory_space<vmem>>, %arg6: memref<2048x8xf32, #tpu.memory_space<vmem>>, %arg7: memref<2048x8xf32, #tpu.memory_space<vmem>>, %arg8: memref<2048x128xf32, #tpu.memory_space<vmem>>) attributes {dimension_semantics = [#tpu.dimension_semantics<parallel>, #tpu.dimension_semantics<arbitrary>], iteration_bounds = array<i64: 2, 20>, scalar_prefetch = 0 : i64, scratch_operands = 3 : i64, tpu.core_type = #tpu.core_type<tc>, window_params = [{transform_indices = @transform_0, window_bounds = array<i64: 2048, 128>}, {transform_indices = @transform_1, window_bounds = array<i64: 5120, 128>}, {transform_indices = @transform_2, window_bounds = array<i64: 2048, 8>}, {transform_indices = @transform_3, window_bounds = array<i64: 2048, 8>}]} {
    %eq3A = arith.constant 0 : i32
    %eq3A_0 = arith.cmpi eq, %arg1, %eq3A : i32
    %convert_element_type3A = arith.extui %eq3A_0 : i1 to i32
    %cond3A = arith.constant 0 : i32
    %cond3A_1 = arith.cmpi ne, %convert_element_type3A, %cond3A : i32
    scf.if %cond3A_1 {
      %broadcast_in_dim3A_821 = arith.constant -1.000000e+30 : f32
      %broadcast_in_dim3A_822 = vector.broadcast %broadcast_in_dim3A_821 : f32 to vector<2048x8xf32>
      %swap3A_823 = arith.constant 0 : index
      %swap3A_824 = arith.constant 0 : index
      %swap3A_825 = vector.load %arg6[%swap3A_823, %swap3A_824] : memref<2048x8xf32, #tpu.memory_space<vmem>>, vector<2048x8xf32>
      tpu.vector_store %arg6[%swap3A_823, %swap3A_824], %broadcast_in_dim3A_822 {strides = array<i32>} : memref<2048x8xf32, #tpu.memory_space<vmem>>, vector<2048x8xf32>,
      %broadcast_in_dim3A_826 = arith.constant 0.000000e+00 : f32
      %broadcast_in_dim3A_827 = vector.broadcast %broadcast_in_dim3A_826 : f32 to vector<2048x8xf32>
      %swap3A_828 = arith.constant 0 : index
      %swap3A_829 = arith.constant 0 : index
      %swap3A_830 = vector.load %arg7[%swap3A_828, %swap3A_829] : memref<2048x8xf32, #tpu.memory_space<vmem>>, vector<2048x8xf32>
      tpu.vector_store %arg7[%swap3A_828, %swap3A_829], %broadcast_in_dim3A_827 {strides = array<i32>} : memref<2048x8xf32, #tpu.memory_space<vmem>>, vector<2048x8xf32>,
      %get3A_831 = arith.constant 0 : index
      %get3A_832 = arith.constant 0 : index
      %get3A_833 = vector.load %arg2[%get3A_831, %get3A_832] : memref<2048x128xf32, #tpu.memory_space<vmem>>, vector<2048x128xf32>
      %mul3A_834 = arith.mulf %get3A_833, %get3A_833 : vector<2048x128xf32>
      %reduce_sum3A = arith.constant dense<0.000000e+00> : vector<2048xf32>
      %reduce_sum3A_835 = vector.multi_reduction <add>, %mul3A_834, %reduce_sum3A [1] : vector<2048x128xf32> to vector<2048xf32>
      %broadcast_in_dim3A_836 = vector.shape_cast %reduce_sum3A_835 : vector<2048xf32> to vector<2048x1xf32>
      %sqrt3A = math.sqrt %broadcast_in_dim3A_836 : vector<2048x1xf32>
      %max3A_837 = arith.constant 9.99999996E-13 : f32
      %max3A_838 = vector.broadcast %max3A_837 : f32 to vector<2048x1xf32>
      %max3A_839 = arith.maximumf %sqrt3A, %max3A_838 : vector<2048x1xf32>
      %div3A = vector.broadcast %max3A_839 : vector<2048x1xf32> to vector<2048x128xf32>
      %div3A_840 = arith.divf %get3A_833, %div3A : vector<2048x128xf32>
      %swap3A_841 = arith.constant 0 : index
      %swap3A_842 = arith.constant 0 : index
      %swap3A_843 = vector.load %arg8[%swap3A_841, %swap3A_842] : memref<2048x128xf32, #tpu.memory_space<vmem>>, vector<2048x128xf32>
      tpu.vector_store %arg8[%swap3A_841, %swap3A_842], %div3A_840 {strides = array<i32>} : memref<2048x128xf32, #tpu.memory_space<vmem>>, vector<2048x128xf32>,
    } else {
    }
    %get3A = arith.constant 0 : index
    %get3A_2 = arith.constant 0 : index
    %get3A_3 = vector.load %arg8[%get3A, %get3A_2] : memref<2048x128xf32, #tpu.memory_space<vmem>>, vector<2048x128xf32>
    %get3A_4 = arith.constant 0 : index
    %get3A_5 = arith.constant 0 : index
    %get3A_6 = vector.load %arg3[%get3A_4, %get3A_5] : memref<5120x128xf32, #tpu.memory_space<vmem>>, vector<5120x128xf32>
    %dot_general3A = arith.constant dense<0.000000e+00> : vector<2048x5120xf32>
    %dot_general3A_7 = tpu.matmul %get3A_3, %get3A_6, %dot_general3A {dimension_numbers = #tpu.dot_dimension_numbers<[1], [1], [0], [0], [0, 0, 1, 0], [], []>, transpose_lhs_hint = false} : vector<2048x128xf32>, vector<5120x128xf32>, vector<2048x5120xf32> -> vector<2048x5120xf32>
    %iota3A = tpu.iota {dimensions = array<i32: 1>} : vector<2048x128xi32>
    %convert_element_type3A_8 = arith.sitofp %iota3A : vector<2048x128xi32> to vector<2048x128xf32>
    %mul3A = arith.constant 5120 : i32
    %mul3A_9 = arith.muli %arg1, %mul3A : i32
    %convert_element_type3A_10 = arith.sitofp %mul3A_9 : i32 to f32
    %slice3A = vector.extract_strided_slice %dot_general3A_7 {offsets = [0, 0], sizes = [2048, 128], strides = [1, 1]} : vector<2048x5120xf32> to vector<2048x128xf32>
    %add3A = arith.constant 0.000000e+00 : f32
    %add3A_11 = arith.addf %convert_element_type3A_10, %add3A : f32
    %add3A_12 = vector.broadcast %add3A_11 : f32 to vector<2048x128xf32>
    %add3A_13 = arith.addf %convert_element_type3A_8, %add3A_12 : vector<2048x128xf32>
    %broadcast_in_dim3A = arith.constant -1.000000e+30 : f32
    %broadcast_in_dim3A_14 = vector.broadcast %broadcast_in_dim3A : f32 to vector<2048x128xf32>
    %broadcast_in_dim3A_15 = arith.constant 0.000000e+00 : f32
    %broadcast_in_dim3A_16 = vector.broadcast %broadcast_in_dim3A_15 : f32 to vector<2048x128xf32>
    %slice3A_17 = vector.extract_strided_slice %dot_general3A_7 {offsets = [0, 128], sizes = [2048, 128], strides = [1, 1]} : vector<2048x5120xf32> to vector<2048x128xf32>
    %add3A_18 = arith.constant 1.280000e+02 : f32
    %add3A_19 = arith.addf %convert_element_type3A_10, %add3A_18 : f32
    %add3A_20 = vector.broadcast %add3A_19 : f32 to vector<2048x128xf32>
    %add3A_21 = arith.addf %convert_element_type3A_8, %add3A_20 : vector<2048x128xf32>
    %gt3A = arith.cmpf ogt, %slice3A_17, %slice3A : vector<2048x128xf32>
    %min3A = arith.minimumf %slice3A, %slice3A_17 : vector<2048x128xf32>
    %select_n3A = arith.select %gt3A, %add3A_13, %add3A_21 : vector<2048x128xi1>, vector<2048x128xf32>
    %max3A = arith.maximumf %slice3A, %slice3A_17 : vector<2048x128xf32>
    %select_n3A_22 = arith.select %gt3A, %add3A_21, %add3A_13 : vector<2048x128xi1>, vector<2048x128xf32>
    %gt3A_23 = arith.cmpf ogt, %min3A, %broadcast_in_dim3A_14 : vector<2048x128xf32>
    %max3A_24 = arith.maximumf %broadcast_in_dim3A_14, %min3A : vector<2048x128xf32>
    %select_n3A_25 = arith.select %gt3A_23, %select_n3A, %broadcast_in_dim3A_16 : vector<2048x128xi1>, vector<2048x128xf32>
    %slice3A_26 = vector.extract_strided_slice %dot_general3A_7 {offsets = [0, 256], sizes = [2048, 128], strides = [1, 1]} : vector<2048x5120xf32> to vector<2048x128xf32>
    %add3A_27 = arith.constant 2.560000e+02 : f32
    %add3A_28 = arith.addf %convert_element_type3A_10, %add3A_27 : f32
    %add3A_29 = vector.broadcast %add3A_28 : f32 to vector<2048x128xf32>
    %add3A_30 = arith.addf %convert_element_type3A_8, %add3A_29 : vector<2048x128xf32>
    %gt3A_31 = arith.cmpf ogt, %slice3A_26, %max3A : vector<2048x128xf32>
    %min3A_32 = arith.minimumf %max3A, %slice3A_26 : vector<2048x128xf32>
    %select_n3A_33 = arith.select %gt3A_31, %select_n3A_22, %add3A_30 : vector<2048x128xi1>, vector<2048x128xf32>
    %max3A_34 = arith.maximumf %max3A, %slice3A_26 : vector<2048x128xf32>
    %select_n3A_35 = arith.select %gt3A_31, %add3A_30, %select_n3A_22 : vector<2048x128xi1>, vector<2048x128xf32>
    %gt3A_36 = arith.cmpf ogt, %min3A_32, %max3A_24 : vector<2048x128xf32>
    %max3A_37 = arith.maximumf %max3A_24, %min3A_32 : vector<2048x128xf32>
    %select_n3A_38 = arith.select %gt3A_36, %select_n3A_33, %select_n3A_25 : vector<2048x128xi1>, vector<2048x128xf32>
    %slice3A_39 = vector.extract_strided_slice %dot_general3A_7 {offsets = [0, 384], sizes = [2048, 128], strides = [1, 1]} : vector<2048x5120xf32> to vector<2048x128xf32>
    %add3A_40 = arith.constant 3.840000e+02 : f32
    %add3A_41 = arith.addf %convert_element_type3A_10, %add3A_40 : f32
    %add3A_42 = vector.broadcast %add3A_41 : f32 to vector<2048x128xf32>
    %add3A_43 = arith.addf %convert_element_type3A_8, %add3A_42 : vector<2048x128xf32>
    %gt3A_44 = arith.cmpf ogt, %slice3A_39, %max3A_34 : vector<2048x128xf32>
    %min3A_45 = arith.minimumf %max3A_34, %slice3A_39 : vector<2048x128xf32>
    %select_n3A_46 = arith.select %gt3A_44, %select_n3A_35, %add3A_43 : vector<2048x128xi1>, vector<2048x128xf32>
    %max3A_47 = arith.maximumf %max3A_34, %slice3A_39 : vector<2048x128xf32>
    %select_n3A_48 = arith.select %gt3A_44, %add3A_43, %select_n3A_35 : vector<2048x128xi1>, vector<2048x128xf32>
    %gt3A_49 = arith.cmpf ogt, %min3A_45, %max3A_37 : vector<2048x128xf32>
    %max3A_50 = arith.maximumf %max3A_37, %min3A_45 : vector<2048x128xf32>
    %select_n3A_51 = arith.select %gt3A_49, %select_n3A_46, %select_n3A_38 : vector<2048x128xi1>, vector<2048x128xf32>
    %slice3A_52 = vector.extract_strided_slice %dot_general3A_7 {offsets = [0, 512], sizes = [2048, 128], strides = [1, 1]} : vector<2048x5120xf32> to vector<2048x128xf32>
    %add3A_53 = arith.constant 5.120000e+02 : f32
    %add3A_54 = arith.addf %convert_element_type3A_10, %add3A_53 : f32
    %add3A_55 = vector.broadcast %add3A_54 : f32 to vector<2048x128xf32>
    %add3A_56 = arith.addf %convert_element_type3A_8, %add3A_55 : vector<2048x128xf32>
    %gt3A_57 = arith.cmpf ogt, %slice3A_52, %max3A_47 : vector<2048x128xf32>
    %min3A_58 = arith.minimumf %max3A_47, %slice3A_52 : vector<2048x128xf32>
    %select_n3A_59 = arith.select %gt3A_57, %select_n3A_48, %add3A_56 : vector<2048x128xi1>, vector<2048x128xf32>
    %max3A_60 = arith.maximumf %max3A_47, %slice3A_52 : vector<2048x128xf32>
    %select_n3A_61 = arith.select %gt3A_57, %add3A_56, %select_n3A_48 : vector<2048x128xi1>, vector<2048x128xf32>
    %gt3A_62 = arith.cmpf ogt, %min3A_58, %max3A_50 : vector<2048x128xf32>
    %max3A_63 = arith.maximumf %max3A_50, %min3A_58 : vector<2048x128xf32>
    %select_n3A_64 = arith.select %gt3A_62, %select_n3A_59, %select_n3A_51 : vector<2048x128xi1>, vector<2048x128xf32>
    %slice3A_65 = vector.extract_strided_slice %dot_general3A_7 {offsets = [0, 640], sizes = [2048, 128], strides = [1, 1]} : vector<2048x5120xf32> to vector<2048x128xf32>
    %add3A_66 = arith.constant 6.400000e+02 : f32
    %add3A_67 = arith.addf %convert_element_type3A_10, %add3A_66 : f32
    %add3A_68 = vector.broadcast %add3A_67 : f32 to vector<2048x128xf32>
    %add3A_69 = arith.addf %convert_element_type3A_8, %add3A_68 : vector<2048x128xf32>
    %gt3A_70 = arith.cmpf ogt, %slice3A_65, %max3A_60 : vector<2048x128xf32>
    %min3A_71 = arith.minimumf %max3A_60, %slice3A_65 : vector<2048x128xf32>
    %select_n3A_72 = arith.select %gt3A_70, %select_n3A_61, %add3A_69 : vector<2048x128xi1>, vector<2048x128xf32>
    %max3A_73 = arith.maximumf %max3A_60, %slice3A_65 : vector<2048x128xf32>
    %select_n3A_74 = arith.select %gt3A_70, %add3A_69, %select_n3A_61 : vector<2048x128xi1>, vector<2048x128xf32>
    %gt3A_75 = arith.cmpf ogt, %min3A_71, %max3A_63 : vector<2048x128xf32>
    %max3A_76 = arith.maximumf %max3A_63, %min3A_71 : vector<2048x128xf32>
    %select_n3A_77 = arith.select %gt3A_75, %select_n3A_72, %select_n3A_64 : vector<2048x128xi1>, vector<2048x128xf32>
    %slice3A_78 = vector.extract_strided_slice %dot_general3A_7 {offsets = [0, 768], sizes = [2048, 128], strides = [1, 1]} : vector<2048x5120xf32> to vector<2048x128xf32>
    %add3A_79 = arith.constant 7.680000e+02 : f32
    %add3A_80 = arith.addf %convert_element_type3A_10, %add3A_79 : f32
    %add3A_81 = vector.broadcast %add3A_80 : f32 to vector<2048x128xf32>
    %add3A_82 = arith.addf %convert_element_type3A_8, %add3A_81 : vector<2048x128xf32>
    %gt3A_83 = arith.cmpf ogt, %slice3A_78, %max3A_73 : vector<2048x128xf32>
    %min3A_84 = arith.minimumf %max3A_73, %slice3A_78 : vector<2048x128xf32>
    %select_n3A_85 = arith.select %gt3A_83, %select_n3A_74, %add3A_82 : vector<2048x128xi1>, vector<2048x128xf32>
    %max3A_86 = arith.maximumf %max3A_73, %slice3A_78 : vector<2048x128xf32>
    %select_n3A_87 = arith.select %gt3A_83, %add3A_82, %select_n3A_74 : vector<2048x128xi1>, vector<2048x128xf32>
    %gt3A_88 = arith.cmpf ogt, %min3A_84, %max3A_76 : vector<2048x128xf32>
    %max3A_89 = arith.maximumf %max3A_76, %min3A_84 : vector<2048x128xf32>
    %select_n3A_90 = arith.select %gt3A_88, %select_n3A_85, %select_n3A_77 : vector<2048x128xi1>, vector<2048x128xf32>
    %slice3A_91 = vector.extract_strided_slice %dot_general3A_7 {offsets = [0, 896], sizes = [2048, 128], strides = [1, 1]} : vector<2048x5120xf32> to vector<2048x128xf32>
    %add3A_92 = arith.constant 8.960000e+02 : f32
    %add3A_93 = arith.addf %convert_element_type3A_10, %add3A_92 : f32
    %add3A_94 = vector.broadcast %add3A_93 : f32 to vector<2048x128xf32>
    %add3A_95 = arith.addf %convert_element_type3A_8, %add3A_94 : vector<2048x128xf32>
    %gt3A_96 = arith.cmpf ogt, %slice3A_91, %max3A_86 : vector<2048x128xf32>
    %min3A_97 = arith.minimumf %max3A_86, %slice3A_91 : vector<2048x128xf32>
    %select_n3A_98 = arith.select %gt3A_96, %select_n3A_87, %add3A_95 : vector<2048x128xi1>, vector<2048x128xf32>
    %max3A_99 = arith.maximumf %max3A_86, %slice3A_91 : vector<2048x128xf32>
    %select_n3A_100 = arith.select %gt3A_96, %add3A_95, %select_n3A_87 : vector<2048x128xi1>, vector<2048x128xf32>
    %gt3A_101 = arith.cmpf ogt, %min3A_97, %max3A_89 : vector<2048x128xf32>
    %max3A_102 = arith.maximumf %max3A_89, %min3A_97 : vector<2048x128xf32>
    %select_n3A_103 = arith.select %gt3A_101, %select_n3A_98, %select_n3A_90 : vector<2048x128xi1>, vector<2048x128xf32>
    %slice3A_104 = vector.extract_strided_slice %dot_general3A_7 {offsets = [0, 1024], sizes = [2048, 128], strides = [1, 1]} : vector<2048x5120xf32> to vector<2048x128xf32>
    %add3A_105 = arith.constant 1.024000e+03 : f32
    %add3A_106 = arith.addf %convert_element_type3A_10, %add3A_105 : f32
    %add3A_107 = vector.broadcast %add3A_106 : f32 to vector<2048x128xf32>
    %add3A_108 = arith.addf %convert_element_type3A_8, %add3A_107 : vector<2048x128xf32>
    %gt3A_109 = arith.cmpf ogt, %slice3A_104, %max3A_99 : vector<2048x128xf32>
    %min3A_110 = arith.minimumf %max3A_99, %slice3A_104 : vector<2048x128xf32>
    %select_n3A_111 = arith.select %gt3A_109, %select_n3A_100, %add3A_108 : vector<2048x128xi1>, vector<2048x128xf32>
    %max3A_112 = arith.maximumf %max3A_99, %slice3A_104 : vector<2048x128xf32>
    %select_n3A_113 = arith.select %gt3A_109, %add3A_108, %select_n3A_100 : vector<2048x128xi1>, vector<2048x128xf32>
    %gt3A_114 = arith.cmpf ogt, %min3A_110, %max3A_102 : vector<2048x128xf32>
    %max3A_115 = arith.maximumf %max3A_102, %min3A_110 : vector<2048x128xf32>
    %select_n3A_116 = arith.select %gt3A_114, %select_n3A_111, %select_n3A_103 : vector<2048x128xi1>, vector<2048x128xf32>
    %slice3A_117 = vector.extract_strided_slice %dot_general3A_7 {offsets = [0, 1152], sizes = [2048, 128], strides = [1, 1]} : vector<2048x5120xf32> to vector<2048x128xf32>
    %add3A_118 = arith.constant 1.152000e+03 : f32
    %add3A_119 = arith.addf %convert_element_type3A_10, %add3A_118 : f32
    %add3A_120 = vector.broadcast %add3A_119 : f32 to vector<2048x128xf32>
    %add3A_121 = arith.addf %convert_element_type3A_8, %add3A_120 : vector<2048x128xf32>
    %gt3A_122 = arith.cmpf ogt, %slice3A_117, %max3A_112 : vector<2048x128xf32>
    %min3A_123 = arith.minimumf %max3A_112, %slice3A_117 : vector<2048x128xf32>
    %select_n3A_124 = arith.select %gt3A_122, %select_n3A_113, %add3A_121 : vector<2048x128xi1>, vector<2048x128xf32>
    %max3A_125 = arith.maximumf %max3A_112, %slice3A_117 : vector<2048x128xf32>
    %select_n3A_126 = arith.select %gt3A_122, %add3A_121, %select_n3A_113 : vector<2048x128xi1>, vector<2048x128xf32>
    %gt3A_127 = arith.cmpf ogt, %min3A_123, %max3A_115 : vector<2048x128xf32>
    %max3A_128 = arith.maximumf %max3A_115, %min3A_123 : vector<2048x128xf32>
    %select_n3A_129 = arith.select %gt3A_127, %select_n3A_124, %select_n3A_116 : vector<2048x128xi1>, vector<2048x128xf32>
    %slice3A_130 = vector.extract_strided_slice %dot_general3A_7 {offsets = [0, 1280], sizes = [2048, 128], strides = [1, 1]} : vector<2048x5120xf32> to vector<2048x128xf32>
    %add3A_131 = arith.constant 1.280000e+03 : f32
    %add3A_132 = arith.addf %convert_element_type3A_10, %add3A_131 : f32
    %add3A_133 = vector.broadcast %add3A_132 : f32 to vector<2048x128xf32>
    %add3A_134 = arith.addf %convert_element_type3A_8, %add3A_133 : vector<2048x128xf32>
    %gt3A_135 = arith.cmpf ogt, %slice3A_130, %max3A_125 : vector<2048x128xf32>
    %min3A_136 = arith.minimumf %max3A_125, %slice3A_130 : vector<2048x128xf32>
    %select_n3A_137 = arith.select %gt3A_135, %select_n3A_126, %add3A_134 : vector<2048x128xi1>, vector<2048x128xf32>
    %max3A_138 = arith.maximumf %max3A_125, %slice3A_130 : vector<2048x128xf32>
    %select_n3A_139 = arith.select %gt3A_135, %add3A_134, %select_n3A_126 : vector<2048x128xi1>, vector<2048x128xf32>
    %gt3A_140 = arith.cmpf ogt, %min3A_136, %max3A_128 : vector<2048x128xf32>
    %max3A_141 = arith.maximumf %max3A_128, %min3A_136 : vector<2048x128xf32>
    %select_n3A_142 = arith.select %gt3A_140, %select_n3A_137, %select_n3A_129 : vector<2048x128xi1>, vector<2048x128xf32>
    %slice3A_143 = vector.extract_strided_slice %dot_general3A_7 {offsets = [0, 1408], sizes = [2048, 128], strides = [1, 1]} : vector<2048x5120xf32> to vector<2048x128xf32>
    %add3A_144 = arith.constant 1.408000e+03 : f32
    %add3A_145 = arith.addf %convert_element_type3A_10, %add3A_144 : f32
    %add3A_146 = vector.broadcast %add3A_145 : f32 to vector<2048x128xf32>
    %add3A_147 = arith.addf %convert_element_type3A_8, %add3A_146 : vector<2048x128xf32>
    %gt3A_148 = arith.cmpf ogt, %slice3A_143, %max3A_138 : vector<2048x128xf32>
    %min3A_149 = arith.minimumf %max3A_138, %slice3A_143 : vector<2048x128xf32>
    %select_n3A_150 = arith.select %gt3A_148, %select_n3A_139, %add3A_147 : vector<2048x128xi1>, vector<2048x128xf32>
    %max3A_151 = arith.maximumf %max3A_138, %slice3A_143 : vector<2048x128xf32>
    %select_n3A_152 = arith.select %gt3A_148, %add3A_147, %select_n3A_139 : vector<2048x128xi1>, vector<2048x128xf32>
    %gt3A_153 = arith.cmpf ogt, %min3A_149, %max3A_141 : vector<2048x128xf32>
    %max3A_154 = arith.maximumf %max3A_141, %min3A_149 : vector<2048x128xf32>
    %select_n3A_155 = arith.select %gt3A_153, %select_n3A_150, %select_n3A_142 : vector<2048x128xi1>, vector<2048x128xf32>
    %slice3A_156 = vector.extract_strided_slice %dot_general3A_7 {offsets = [0, 1536], sizes = [2048, 128], strides = [1, 1]} : vector<2048x5120xf32> to vector<2048x128xf32>
    %add3A_157 = arith.constant 1.536000e+03 : f32
    %add3A_158 = arith.addf %convert_element_type3A_10, %add3A_157 : f32
    %add3A_159 = vector.broadcast %add3A_158 : f32 to vector<2048x128xf32>
    %add3A_160 = arith.addf %convert_element_type3A_8, %add3A_159 : vector<2048x128xf32>
    %gt3A_161 = arith.cmpf ogt, %slice3A_156, %max3A_151 : vector<2048x128xf32>
    %min3A_162 = arith.minimumf %max3A_151, %slice3A_156 : vector<2048x128xf32>
    %select_n3A_163 = arith.select %gt3A_161, %select_n3A_152, %add3A_160 : vector<2048x128xi1>, vector<2048x128xf32>
    %max3A_164 = arith.maximumf %max3A_151, %slice3A_156 : vector<2048x128xf32>
    %select_n3A_165 = arith.select %gt3A_161, %add3A_160, %select_n3A_152 : vector<2048x128xi1>, vector<2048x128xf32>
    %gt3A_166 = arith.cmpf ogt, %min3A_162, %max3A_154 : vector<2048x128xf32>
    %max3A_167 = arith.maximumf %max3A_154, %min3A_162 : vector<2048x128xf32>
    %select_n3A_168 = arith.select %gt3A_166, %select_n3A_163, %select_n3A_155 : vector<2048x128xi1>, vector<2048x128xf32>
    %slice3A_169 = vector.extract_strided_slice %dot_general3A_7 {offsets = [0, 1664], sizes = [2048, 128], strides = [1, 1]} : vector<2048x5120xf32> to vector<2048x128xf32>
    %add3A_170 = arith.constant 1.664000e+03 : f32
    %add3A_171 = arith.addf %convert_element_type3A_10, %add3A_170 : f32
    %add3A_172 = vector.broadcast %add3A_171 : f32 to vector<2048x128xf32>
    %add3A_173 = arith.addf %convert_element_type3A_8, %add3A_172 : vector<2048x128xf32>
    %gt3A_174 = arith.cmpf ogt, %slice3A_169, %max3A_164 : vector<2048x128xf32>
    %min3A_175 = arith.minimumf %max3A_164, %slice3A_169 : vector<2048x128xf32>
    %select_n3A_176 = arith.select %gt3A_174, %select_n3A_165, %add3A_173 : vector<2048x128xi1>, vector<2048x128xf32>
    %max3A_177 = arith.maximumf %max3A_164, %slice3A_169 : vector<2048x128xf32>
    %select_n3A_178 = arith.select %gt3A_174, %add3A_173, %select_n3A_165 : vector<2048x128xi1>, vector<2048x128xf32>
    %gt3A_179 = arith.cmpf ogt, %min3A_175, %max3A_167 : vector<2048x128xf32>
    %max3A_180 = arith.maximumf %max3A_167, %min3A_175 : vector<2048x128xf32>
    %select_n3A_181 = arith.select %gt3A_179, %select_n3A_176, %select_n3A_168 : vector<2048x128xi1>, vector<2048x128xf32>
    %slice3A_182 = vector.extract_strided_slice %dot_general3A_7 {offsets = [0, 1792], sizes = [2048, 128], strides = [1, 1]} : vector<2048x5120xf32> to vector<2048x128xf32>
    %add3A_183 = arith.constant 1.792000e+03 : f32
    %add3A_184 = arith.addf %convert_element_type3A_10, %add3A_183 : f32
    %add3A_185 = vector.broadcast %add3A_184 : f32 to vector<2048x128xf32>
    %add3A_186 = arith.addf %convert_element_type3A_8, %add3A_185 : vector<2048x128xf32>
    %gt3A_187 = arith.cmpf ogt, %slice3A_182, %max3A_177 : vector<2048x128xf32>
    %min3A_188 = arith.minimumf %max3A_177, %slice3A_182 : vector<2048x128xf32>
    %select_n3A_189 = arith.select %gt3A_187, %select_n3A_178, %add3A_186 : vector<2048x128xi1>, vector<2048x128xf32>
    %max3A_190 = arith.maximumf %max3A_177, %slice3A_182 : vector<2048x128xf32>
    %select_n3A_191 = arith.select %gt3A_187, %add3A_186, %select_n3A_178 : vector<2048x128xi1>, vector<2048x128xf32>
    %gt3A_192 = arith.cmpf ogt, %min3A_188, %max3A_180 : vector<2048x128xf32>
    %max3A_193 = arith.maximumf %max3A_180, %min3A_188 : vector<2048x128xf32>
    %select_n3A_194 = arith.select %gt3A_192, %select_n3A_189, %select_n3A_181 : vector<2048x128xi1>, vector<2048x128xf32>
    %slice3A_195 = vector.extract_strided_slice %dot_general3A_7 {offsets = [0, 1920], sizes = [2048, 128], strides = [1, 1]} : vector<2048x5120xf32> to vector<2048x128xf32>
    %add3A_196 = arith.constant 1.920000e+03 : f32
    %add3A_197 = arith.addf %convert_element_type3A_10, %add3A_196 : f32
    %add3A_198 = vector.broadcast %add3A_197 : f32 to vector<2048x128xf32>
    %add3A_199 = arith.addf %convert_element_type3A_8, %add3A_198 : vector<2048x128xf32>
    %gt3A_200 = arith.cmpf ogt, %slice3A_195, %max3A_190 : vector<2048x128xf32>
    %min3A_201 = arith.minimumf %max3A_190, %slice3A_195 : vector<2048x128xf32>
    %select_n3A_202 = arith.select %gt3A_200, %select_n3A_191, %add3A_199 : vector<2048x128xi1>, vector<2048x128xf32>
    %max3A_203 = arith.maximumf %max3A_190, %slice3A_195 : vector<2048x128xf32>
    %select_n3A_204 = arith.select %gt3A_200, %add3A_199, %select_n3A_191 : vector<2048x128xi1>, vector<2048x128xf32>
    %gt3A_205 = arith.cmpf ogt, %min3A_201, %max3A_193 : vector<2048x128xf32>
    %max3A_206 = arith.maximumf %max3A_193, %min3A_201 : vector<2048x128xf32>
    %select_n3A_207 = arith.select %gt3A_205, %select_n3A_202, %select_n3A_194 : vector<2048x128xi1>, vector<2048x128xf32>
    %slice3A_208 = vector.extract_strided_slice %dot_general3A_7 {offsets = [0, 2048], sizes = [2048, 128], strides = [1, 1]} : vector<2048x5120xf32> to vector<2048x128xf32>
    %add3A_209 = arith.constant 2.048000e+03 : f32
    %add3A_210 = arith.addf %convert_element_type3A_10, %add3A_209 : f32
    %add3A_211 = vector.broadcast %add3A_210 : f32 to vector<2048x128xf32>
    %add3A_212 = arith.addf %convert_element_type3A_8, %add3A_211 : vector<2048x128xf32>
    %gt3A_213 = arith.cmpf ogt, %slice3A_208, %max3A_203 : vector<2048x128xf32>
    %min3A_214 = arith.minimumf %max3A_203, %slice3A_208 : vector<2048x128xf32>
    %select_n3A_215 = arith.select %gt3A_213, %select_n3A_204, %add3A_212 : vector<2048x128xi1>, vector<2048x128xf32>
    %max3A_216 = arith.maximumf %max3A_203, %slice3A_208 : vector<2048x128xf32>
    %select_n3A_217 = arith.select %gt3A_213, %add3A_212, %select_n3A_204 : vector<2048x128xi1>, vector<2048x128xf32>
    %gt3A_218 = arith.cmpf ogt, %min3A_214, %max3A_206 : vector<2048x128xf32>
    %max3A_219 = arith.maximumf %max3A_206, %min3A_214 : vector<2048x128xf32>
    %select_n3A_220 = arith.select %gt3A_218, %select_n3A_215, %select_n3A_207 : vector<2048x128xi1>, vector<2048x128xf32>
    %slice3A_221 = vector.extract_strided_slice %dot_general3A_7 {offsets = [0, 2176], sizes = [2048, 128], strides = [1, 1]} : vector<2048x5120xf32> to vector<2048x128xf32>
    %add3A_222 = arith.constant 2.176000e+03 : f32
    %add3A_223 = arith.addf %convert_element_type3A_10, %add3A_222 : f32
    %add3A_224 = vector.broadcast %add3A_223 : f32 to vector<2048x128xf32>
    %add3A_225 = arith.addf %convert_element_type3A_8, %add3A_224 : vector<2048x128xf32>
    %gt3A_226 = arith.cmpf ogt, %slice3A_221, %max3A_216 : vector<2048x128xf32>
    %min3A_227 = arith.minimumf %max3A_216, %slice3A_221 : vector<2048x128xf32>
    %select_n3A_228 = arith.select %gt3A_226, %select_n3A_217, %add3A_225 : vector<2048x128xi1>, vector<2048x128xf32>
    %max3A_229 = arith.maximumf %max3A_216, %slice3A_221 : vector<2048x128xf32>
    %select_n3A_230 = arith.select %gt3A_226, %add3A_225, %select_n3A_217 : vector<2048x128xi1>, vector<2048x128xf32>
    %gt3A_231 = arith.cmpf ogt, %min3A_227, %max3A_219 : vector<2048x128xf32>
    %max3A_232 = arith.maximumf %max3A_219, %min3A_227 : vector<2048x128xf32>
    %select_n3A_233 = arith.select %gt3A_231, %select_n3A_228, %select_n3A_220 : vector<2048x128xi1>, vector<2048x128xf32>
    %slice3A_234 = vector.extract_strided_slice %dot_general3A_7 {offsets = [0, 2304], sizes = [2048, 128], strides = [1, 1]} : vector<2048x5120xf32> to vector<2048x128xf32>
    %add3A_235 = arith.constant 2.304000e+03 : f32
    %add3A_236 = arith.addf %convert_element_type3A_10, %add3A_235 : f32
    %add3A_237 = vector.broadcast %add3A_236 : f32 to vector<2048x128xf32>
    %add3A_238 = arith.addf %convert_element_type3A_8, %add3A_237 : vector<2048x128xf32>
    %gt3A_239 = arith.cmpf ogt, %slice3A_234, %max3A_229 : vector<2048x128xf32>
    %min3A_240 = arith.minimumf %max3A_229, %slice3A_234 : vector<2048x128xf32>
    %select_n3A_241 = arith.select %gt3A_239, %select_n3A_230, %add3A_238 : vector<2048x128xi1>, vector<2048x128xf32>
    %max3A_242 = arith.maximumf %max3A_229, %slice3A_234 : vector<2048x128xf32>
    %select_n3A_243 = arith.select %gt3A_239, %add3A_238, %select_n3A_230 : vector<2048x128xi1>, vector<2048x128xf32>
    %gt3A_244 = arith.cmpf ogt, %min3A_240, %max3A_232 : vector<2048x128xf32>
    %max3A_245 = arith.maximumf %max3A_232, %min3A_240 : vector<2048x128xf32>
    %select_n3A_246 = arith.select %gt3A_244, %select_n3A_241, %select_n3A_233 : vector<2048x128xi1>, vector<2048x128xf32>
    %slice3A_247 = vector.extract_strided_slice %dot_general3A_7 {offsets = [0, 2432], sizes = [2048, 128], strides = [1, 1]} : vector<2048x5120xf32> to vector<2048x128xf32>
    %add3A_248 = arith.constant 2.432000e+03 : f32
    %add3A_249 = arith.addf %convert_element_type3A_10, %add3A_248 : f32
    %add3A_250 = vector.broadcast %add3A_249 : f32 to vector<2048x128xf32>
    %add3A_251 = arith.addf %convert_element_type3A_8, %add3A_250 : vector<2048x128xf32>
    %gt3A_252 = arith.cmpf ogt, %slice3A_247, %max3A_242 : vector<2048x128xf32>
    %min3A_253 = arith.minimumf %max3A_242, %slice3A_247 : vector<2048x128xf32>
    %select_n3A_254 = arith.select %gt3A_252, %select_n3A_243, %add3A_251 : vector<2048x128xi1>, vector<2048x128xf32>
    %max3A_255 = arith.maximumf %max3A_242, %slice3A_247 : vector<2048x128xf32>
    %select_n3A_256 = arith.select %gt3A_252, %add3A_251, %select_n3A_243 : vector<2048x128xi1>, vector<2048x128xf32>
    %gt3A_257 = arith.cmpf ogt, %min3A_253, %max3A_245 : vector<2048x128xf32>
    %max3A_258 = arith.maximumf %max3A_245, %min3A_253 : vector<2048x128xf32>
    %select_n3A_259 = arith.select %gt3A_257, %select_n3A_254, %select_n3A_246 : vector<2048x128xi1>, vector<2048x128xf32>
    %slice3A_260 = vector.extract_strided_slice %dot_general3A_7 {offsets = [0, 2560], sizes = [2048, 128], strides = [1, 1]} : vector<2048x5120xf32> to vector<2048x128xf32>
    %add3A_261 = arith.constant 2.560000e+03 : f32
    %add3A_262 = arith.addf %convert_element_type3A_10, %add3A_261 : f32
    %add3A_263 = vector.broadcast %add3A_262 : f32 to vector<2048x128xf32>
    %add3A_264 = arith.addf %convert_element_type3A_8, %add3A_263 : vector<2048x128xf32>
    %gt3A_265 = arith.cmpf ogt, %slice3A_260, %max3A_255 : vector<2048x128xf32>
    %min3A_266 = arith.minimumf %max3A_255, %slice3A_260 : vector<2048x128xf32>
    %select_n3A_267 = arith.select %gt3A_265, %select_n3A_256, %add3A_264 : vector<2048x128xi1>, vector<2048x128xf32>
    %max3A_268 = arith.maximumf %max3A_255, %slice3A_260 : vector<2048x128xf32>
    %select_n3A_269 = arith.select %gt3A_265, %add3A_264, %select_n3A_256 : vector<2048x128xi1>, vector<2048x128xf32>
    %gt3A_270 = arith.cmpf ogt, %min3A_266, %max3A_258 : vector<2048x128xf32>
    %max3A_271 = arith.maximumf %max3A_258, %min3A_266 : vector<2048x128xf32>
    %select_n3A_272 = arith.select %gt3A_270, %select_n3A_267, %select_n3A_259 : vector<2048x128xi1>, vector<2048x128xf32>
    %slice3A_273 = vector.extract_strided_slice %dot_general3A_7 {offsets = [0, 2688], sizes = [2048, 128], strides = [1, 1]} : vector<2048x5120xf32> to vector<2048x128xf32>
    %add3A_274 = arith.constant 2.688000e+03 : f32
    %add3A_275 = arith.addf %convert_element_type3A_10, %add3A_274 : f32
    %add3A_276 = vector.broadcast %add3A_275 : f32 to vector<2048x128xf32>
    %add3A_277 = arith.addf %convert_element_type3A_8, %add3A_276 : vector<2048x128xf32>
    %gt3A_278 = arith.cmpf ogt, %slice3A_273, %max3A_268 : vector<2048x128xf32>
    %min3A_279 = arith.minimumf %max3A_268, %slice3A_273 : vector<2048x128xf32>
    %select_n3A_280 = arith.select %gt3A_278, %select_n3A_269, %add3A_277 : vector<2048x128xi1>, vector<2048x128xf32>
    %max3A_281 = arith.maximumf %max3A_268, %slice3A_273 : vector<2048x128xf32>
    %select_n3A_282 = arith.select %gt3A_278, %add3A_277, %select_n3A_269 : vector<2048x128xi1>, vector<2048x128xf32>
    %gt3A_283 = arith.cmpf ogt, %min3A_279, %max3A_271 : vector<2048x128xf32>
    %max3A_284 = arith.maximumf %max3A_271, %min3A_279 : vector<2048x128xf32>
    %select_n3A_285 = arith.select %gt3A_283, %select_n3A_280, %select_n3A_272 : vector<2048x128xi1>, vector<2048x128xf32>
    %slice3A_286 = vector.extract_strided_slice %dot_general3A_7 {offsets = [0, 2816], sizes = [2048, 128], strides = [1, 1]} : vector<2048x5120xf32> to vector<2048x128xf32>
    %add3A_287 = arith.constant 2.816000e+03 : f32
    %add3A_288 = arith.addf %convert_element_type3A_10, %add3A_287 : f32
    %add3A_289 = vector.broadcast %add3A_288 : f32 to vector<2048x128xf32>
    %add3A_290 = arith.addf %convert_element_type3A_8, %add3A_289 : vector<2048x128xf32>
    %gt3A_291 = arith.cmpf ogt, %slice3A_286, %max3A_281 : vector<2048x128xf32>
    %min3A_292 = arith.minimumf %max3A_281, %slice3A_286 : vector<2048x128xf32>
    %select_n3A_293 = arith.select %gt3A_291, %select_n3A_282, %add3A_290 : vector<2048x128xi1>, vector<2048x128xf32>
    %max3A_294 = arith.maximumf %max3A_281, %slice3A_286 : vector<2048x128xf32>
    %select_n3A_295 = arith.select %gt3A_291, %add3A_290, %select_n3A_282 : vector<2048x128xi1>, vector<2048x128xf32>
    %gt3A_296 = arith.cmpf ogt, %min3A_292, %max3A_284 : vector<2048x128xf32>
    %max3A_297 = arith.maximumf %max3A_284, %min3A_292 : vector<2048x128xf32>
    %select_n3A_298 = arith.select %gt3A_296, %select_n3A_293, %select_n3A_285 : vector<2048x128xi1>, vector<2048x128xf32>
    %slice3A_299 = vector.extract_strided_slice %dot_general3A_7 {offsets = [0, 2944], sizes = [2048, 128], strides = [1, 1]} : vector<2048x5120xf32> to vector<2048x128xf32>
    %add3A_300 = arith.constant 2.944000e+03 : f32
    %add3A_301 = arith.addf %convert_element_type3A_10, %add3A_300 : f32
    %add3A_302 = vector.broadcast %add3A_301 : f32 to vector<2048x128xf32>
    %add3A_303 = arith.addf %convert_element_type3A_8, %add3A_302 : vector<2048x128xf32>
    %gt3A_304 = arith.cmpf ogt, %slice3A_299, %max3A_294 : vector<2048x128xf32>
    %min3A_305 = arith.minimumf %max3A_294, %slice3A_299 : vector<2048x128xf32>
    %select_n3A_306 = arith.select %gt3A_304, %select_n3A_295, %add3A_303 : vector<2048x128xi1>, vector<2048x128xf32>
    %max3A_307 = arith.maximumf %max3A_294, %slice3A_299 : vector<2048x128xf32>
    %select_n3A_308 = arith.select %gt3A_304, %add3A_303, %select_n3A_295 : vector<2048x128xi1>, vector<2048x128xf32>
    %gt3A_309 = arith.cmpf ogt, %min3A_305, %max3A_297 : vector<2048x128xf32>
    %max3A_310 = arith.maximumf %max3A_297, %min3A_305 : vector<2048x128xf32>
    %select_n3A_311 = arith.select %gt3A_309, %select_n3A_306, %select_n3A_298 : vector<2048x128xi1>, vector<2048x128xf32>
    %slice3A_312 = vector.extract_strided_slice %dot_general3A_7 {offsets = [0, 3072], sizes = [2048, 128], strides = [1, 1]} : vector<2048x5120xf32> to vector<2048x128xf32>
    %add3A_313 = arith.constant 3.072000e+03 : f32
    %add3A_314 = arith.addf %convert_element_type3A_10, %add3A_313 : f32
    %add3A_315 = vector.broadcast %add3A_314 : f32 to vector<2048x128xf32>
    %add3A_316 = arith.addf %convert_element_type3A_8, %add3A_315 : vector<2048x128xf32>
    %gt3A_317 = arith.cmpf ogt, %slice3A_312, %max3A_307 : vector<2048x128xf32>
    %min3A_318 = arith.minimumf %max3A_307, %slice3A_312 : vector<2048x128xf32>
    %select_n3A_319 = arith.select %gt3A_317, %select_n3A_308, %add3A_316 : vector<2048x128xi1>, vector<2048x128xf32>
    %max3A_320 = arith.maximumf %max3A_307, %slice3A_312 : vector<2048x128xf32>
    %select_n3A_321 = arith.select %gt3A_317, %add3A_316, %select_n3A_308 : vector<2048x128xi1>, vector<2048x128xf32>
    %gt3A_322 = arith.cmpf ogt, %min3A_318, %max3A_310 : vector<2048x128xf32>
    %max3A_323 = arith.maximumf %max3A_310, %min3A_318 : vector<2048x128xf32>
    %select_n3A_324 = arith.select %gt3A_322, %select_n3A_319, %select_n3A_311 : vector<2048x128xi1>, vector<2048x128xf32>
    %slice3A_325 = vector.extract_strided_slice %dot_general3A_7 {offsets = [0, 3200], sizes = [2048, 128], strides = [1, 1]} : vector<2048x5120xf32> to vector<2048x128xf32>
    %add3A_326 = arith.constant 3.200000e+03 : f32
    %add3A_327 = arith.addf %convert_element_type3A_10, %add3A_326 : f32
    %add3A_328 = vector.broadcast %add3A_327 : f32 to vector<2048x128xf32>
    %add3A_329 = arith.addf %convert_element_type3A_8, %add3A_328 : vector<2048x128xf32>
    %gt3A_330 = arith.cmpf ogt, %slice3A_325, %max3A_320 : vector<2048x128xf32>
    %min3A_331 = arith.minimumf %max3A_320, %slice3A_325 : vector<2048x128xf32>
    %select_n3A_332 = arith.select %gt3A_330, %select_n3A_321, %add3A_329 : vector<2048x128xi1>, vector<2048x128xf32>
    %max3A_333 = arith.maximumf %max3A_320, %slice3A_325 : vector<2048x128xf32>
    %select_n3A_334 = arith.select %gt3A_330, %add3A_329, %select_n3A_321 : vector<2048x128xi1>, vector<2048x128xf32>
    %gt3A_335 = arith.cmpf ogt, %min3A_331, %max3A_323 : vector<2048x128xf32>
    %max3A_336 = arith.maximumf %max3A_323, %min3A_331 : vector<2048x128xf32>
    %select_n3A_337 = arith.select %gt3A_335, %select_n3A_332, %select_n3A_324 : vector<2048x128xi1>, vector<2048x128xf32>
    %slice3A_338 = vector.extract_strided_slice %dot_general3A_7 {offsets = [0, 3328], sizes = [2048, 128], strides = [1, 1]} : vector<2048x5120xf32> to vector<2048x128xf32>
    %add3A_339 = arith.constant 3.328000e+03 : f32
    %add3A_340 = arith.addf %convert_element_type3A_10, %add3A_339 : f32
    %add3A_341 = vector.broadcast %add3A_340 : f32 to vector<2048x128xf32>
    %add3A_342 = arith.addf %convert_element_type3A_8, %add3A_341 : vector<2048x128xf32>
    %gt3A_343 = arith.cmpf ogt, %slice3A_338, %max3A_333 : vector<2048x128xf32>
    %min3A_344 = arith.minimumf %max3A_333, %slice3A_338 : vector<2048x128xf32>
    %select_n3A_345 = arith.select %gt3A_343, %select_n3A_334, %add3A_342 : vector<2048x128xi1>, vector<2048x128xf32>
    %max3A_346 = arith.maximumf %max3A_333, %slice3A_338 : vector<2048x128xf32>
    %select_n3A_347 = arith.select %gt3A_343, %add3A_342, %select_n3A_334 : vector<2048x128xi1>, vector<2048x128xf32>
    %gt3A_348 = arith.cmpf ogt, %min3A_344, %max3A_336 : vector<2048x128xf32>
    %max3A_349 = arith.maximumf %max3A_336, %min3A_344 : vector<2048x128xf32>
    %select_n3A_350 = arith.select %gt3A_348, %select_n3A_345, %select_n3A_337 : vector<2048x128xi1>, vector<2048x128xf32>
    %slice3A_351 = vector.extract_strided_slice %dot_general3A_7 {offsets = [0, 3456], sizes = [2048, 128], strides = [1, 1]} : vector<2048x5120xf32> to vector<2048x128xf32>
    %add3A_352 = arith.constant 3.456000e+03 : f32
    %add3A_353 = arith.addf %convert_element_type3A_10, %add3A_352 : f32
    %add3A_354 = vector.broadcast %add3A_353 : f32 to vector<2048x128xf32>
    %add3A_355 = arith.addf %convert_element_type3A_8, %add3A_354 : vector<2048x128xf32>
    %gt3A_356 = arith.cmpf ogt, %slice3A_351, %max3A_346 : vector<2048x128xf32>
    %min3A_357 = arith.minimumf %max3A_346, %slice3A_351 : vector<2048x128xf32>
    %select_n3A_358 = arith.select %gt3A_356, %select_n3A_347, %add3A_355 : vector<2048x128xi1>, vector<2048x128xf32>
    %max3A_359 = arith.maximumf %max3A_346, %slice3A_351 : vector<2048x128xf32>
    %select_n3A_360 = arith.select %gt3A_356, %add3A_355, %select_n3A_347 : vector<2048x128xi1>, vector<2048x128xf32>
    %gt3A_361 = arith.cmpf ogt, %min3A_357, %max3A_349 : vector<2048x128xf32>
    %max3A_362 = arith.maximumf %max3A_349, %min3A_357 : vector<2048x128xf32>
    %select_n3A_363 = arith.select %gt3A_361, %select_n3A_358, %select_n3A_350 : vector<2048x128xi1>, vector<2048x128xf32>
    %slice3A_364 = vector.extract_strided_slice %dot_general3A_7 {offsets = [0, 3584], sizes = [2048, 128], strides = [1, 1]} : vector<2048x5120xf32> to vector<2048x128xf32>
    %add3A_365 = arith.constant 3.584000e+03 : f32
    %add3A_366 = arith.addf %convert_element_type3A_10, %add3A_365 : f32
    %add3A_367 = vector.broadcast %add3A_366 : f32 to vector<2048x128xf32>
    %add3A_368 = arith.addf %convert_element_type3A_8, %add3A_367 : vector<2048x128xf32>
    %gt3A_369 = arith.cmpf ogt, %slice3A_364, %max3A_359 : vector<2048x128xf32>
    %min3A_370 = arith.minimumf %max3A_359, %slice3A_364 : vector<2048x128xf32>
    %select_n3A_371 = arith.select %gt3A_369, %select_n3A_360, %add3A_368 : vector<2048x128xi1>, vector<2048x128xf32>
    %max3A_372 = arith.maximumf %max3A_359, %slice3A_364 : vector<2048x128xf32>
    %select_n3A_373 = arith.select %gt3A_369, %add3A_368, %select_n3A_360 : vector<2048x128xi1>, vector<2048x128xf32>
    %gt3A_374 = arith.cmpf ogt, %min3A_370, %max3A_362 : vector<2048x128xf32>
    %max3A_375 = arith.maximumf %max3A_362, %min3A_370 : vector<2048x128xf32>
    %select_n3A_376 = arith.select %gt3A_374, %select_n3A_371, %select_n3A_363 : vector<2048x128xi1>, vector<2048x128xf32>
    %slice3A_377 = vector.extract_strided_slice %dot_general3A_7 {offsets = [0, 3712], sizes = [2048, 128], strides = [1, 1]} : vector<2048x5120xf32> to vector<2048x128xf32>
    %add3A_378 = arith.constant 3.712000e+03 : f32
    %add3A_379 = arith.addf %convert_element_type3A_10, %add3A_378 : f32
    %add3A_380 = vector.broadcast %add3A_379 : f32 to vector<2048x128xf32>
    %add3A_381 = arith.addf %convert_element_type3A_8, %add3A_380 : vector<2048x128xf32>
    %gt3A_382 = arith.cmpf ogt, %slice3A_377, %max3A_372 : vector<2048x128xf32>
    %min3A_383 = arith.minimumf %max3A_372, %slice3A_377 : vector<2048x128xf32>
    %select_n3A_384 = arith.select %gt3A_382, %select_n3A_373, %add3A_381 : vector<2048x128xi1>, vector<2048x128xf32>
    %max3A_385 = arith.maximumf %max3A_372, %slice3A_377 : vector<2048x128xf32>
    %select_n3A_386 = arith.select %gt3A_382, %add3A_381, %select_n3A_373 : vector<2048x128xi1>, vector<2048x128xf32>
    %gt3A_387 = arith.cmpf ogt, %min3A_383, %max3A_375 : vector<2048x128xf32>
    %max3A_388 = arith.maximumf %max3A_375, %min3A_383 : vector<2048x128xf32>
    %select_n3A_389 = arith.select %gt3A_387, %select_n3A_384, %select_n3A_376 : vector<2048x128xi1>, vector<2048x128xf32>
    %slice3A_390 = vector.extract_strided_slice %dot_general3A_7 {offsets = [0, 3840], sizes = [2048, 128], strides = [1, 1]} : vector<2048x5120xf32> to vector<2048x128xf32>
    %add3A_391 = arith.constant 3.840000e+03 : f32
    %add3A_392 = arith.addf %convert_element_type3A_10, %add3A_391 : f32
    %add3A_393 = vector.broadcast %add3A_392 : f32 to vector<2048x128xf32>
    %add3A_394 = arith.addf %convert_element_type3A_8, %add3A_393 : vector<2048x128xf32>
    %gt3A_395 = arith.cmpf ogt, %slice3A_390, %max3A_385 : vector<2048x128xf32>
    %min3A_396 = arith.minimumf %max3A_385, %slice3A_390 : vector<2048x128xf32>
    %select_n3A_397 = arith.select %gt3A_395, %select_n3A_386, %add3A_394 : vector<2048x128xi1>, vector<2048x128xf32>
    %max3A_398 = arith.maximumf %max3A_385, %slice3A_390 : vector<2048x128xf32>
    %select_n3A_399 = arith.select %gt3A_395, %add3A_394, %select_n3A_386 : vector<2048x128xi1>, vector<2048x128xf32>
    %gt3A_400 = arith.cmpf ogt, %min3A_396, %max3A_388 : vector<2048x128xf32>
    %max3A_401 = arith.maximumf %max3A_388, %min3A_396 : vector<2048x128xf32>
    %select_n3A_402 = arith.select %gt3A_400, %select_n3A_397, %select_n3A_389 : vector<2048x128xi1>, vector<2048x128xf32>
    %slice3A_403 = vector.extract_strided_slice %dot_general3A_7 {offsets = [0, 3968], sizes = [2048, 128], strides = [1, 1]} : vector<2048x5120xf32> to vector<2048x128xf32>
    %add3A_404 = arith.constant 3.968000e+03 : f32
    %add3A_405 = arith.addf %convert_element_type3A_10, %add3A_404 : f32
    %add3A_406 = vector.broadcast %add3A_405 : f32 to vector<2048x128xf32>
    %add3A_407 = arith.addf %convert_element_type3A_8, %add3A_406 : vector<2048x128xf32>
    %gt3A_408 = arith.cmpf ogt, %slice3A_403, %max3A_398 : vector<2048x128xf32>
    %min3A_409 = arith.minimumf %max3A_398, %slice3A_403 : vector<2048x128xf32>
    %select_n3A_410 = arith.select %gt3A_408, %select_n3A_399, %add3A_407 : vector<2048x128xi1>, vector<2048x128xf32>
    %max3A_411 = arith.maximumf %max3A_398, %slice3A_403 : vector<2048x128xf32>
    %select_n3A_412 = arith.select %gt3A_408, %add3A_407, %select_n3A_399 : vector<2048x128xi1>, vector<2048x128xf32>
    %gt3A_413 = arith.cmpf ogt, %min3A_409, %max3A_401 : vector<2048x128xf32>
    %max3A_414 = arith.maximumf %max3A_401, %min3A_409 : vector<2048x128xf32>
    %select_n3A_415 = arith.select %gt3A_413, %select_n3A_410, %select_n3A_402 : vector<2048x128xi1>, vector<2048x128xf32>
    %slice3A_416 = vector.extract_strided_slice %dot_general3A_7 {offsets = [0, 4096], sizes = [2048, 128], strides = [1, 1]} : vector<2048x5120xf32> to vector<2048x128xf32>
    %add3A_417 = arith.constant 4.096000e+03 : f32
    %add3A_418 = arith.addf %convert_element_type3A_10, %add3A_417 : f32
    %add3A_419 = vector.broadcast %add3A_418 : f32 to vector<2048x128xf32>
    %add3A_420 = arith.addf %convert_element_type3A_8, %add3A_419 : vector<2048x128xf32>
    %gt3A_421 = arith.cmpf ogt, %slice3A_416, %max3A_411 : vector<2048x128xf32>
    %min3A_422 = arith.minimumf %max3A_411, %slice3A_416 : vector<2048x128xf32>
    %select_n3A_423 = arith.select %gt3A_421, %select_n3A_412, %add3A_420 : vector<2048x128xi1>, vector<2048x128xf32>
    %max3A_424 = arith.maximumf %max3A_411, %slice3A_416 : vector<2048x128xf32>
    %select_n3A_425 = arith.select %gt3A_421, %add3A_420, %select_n3A_412 : vector<2048x128xi1>, vector<2048x128xf32>
    %gt3A_426 = arith.cmpf ogt, %min3A_422, %max3A_414 : vector<2048x128xf32>
    %max3A_427 = arith.maximumf %max3A_414, %min3A_422 : vector<2048x128xf32>
    %select_n3A_428 = arith.select %gt3A_426, %select_n3A_423, %select_n3A_415 : vector<2048x128xi1>, vector<2048x128xf32>
    %slice3A_429 = vector.extract_strided_slice %dot_general3A_7 {offsets = [0, 4224], sizes = [2048, 128], strides = [1, 1]} : vector<2048x5120xf32> to vector<2048x128xf32>
    %add3A_430 = arith.constant 4.224000e+03 : f32
    %add3A_431 = arith.addf %convert_element_type3A_10, %add3A_430 : f32
    %add3A_432 = vector.broadcast %add3A_431 : f32 to vector<2048x128xf32>
    %add3A_433 = arith.addf %convert_element_type3A_8, %add3A_432 : vector<2048x128xf32>
    %gt3A_434 = arith.cmpf ogt, %slice3A_429, %max3A_424 : vector<2048x128xf32>
    %min3A_435 = arith.minimumf %max3A_424, %slice3A_429 : vector<2048x128xf32>
    %select_n3A_436 = arith.select %gt3A_434, %select_n3A_425, %add3A_433 : vector<2048x128xi1>, vector<2048x128xf32>
    %max3A_437 = arith.maximumf %max3A_424, %slice3A_429 : vector<2048x128xf32>
    %select_n3A_438 = arith.select %gt3A_434, %add3A_433, %select_n3A_425 : vector<2048x128xi1>, vector<2048x128xf32>
    %gt3A_439 = arith.cmpf ogt, %min3A_435, %max3A_427 : vector<2048x128xf32>
    %max3A_440 = arith.maximumf %max3A_427, %min3A_435 : vector<2048x128xf32>
    %select_n3A_441 = arith.select %gt3A_439, %select_n3A_436, %select_n3A_428 : vector<2048x128xi1>, vector<2048x128xf32>
    %slice3A_442 = vector.extract_strided_slice %dot_general3A_7 {offsets = [0, 4352], sizes = [2048, 128], strides = [1, 1]} : vector<2048x5120xf32> to vector<2048x128xf32>
    %add3A_443 = arith.constant 4.352000e+03 : f32
    %add3A_444 = arith.addf %convert_element_type3A_10, %add3A_443 : f32
    %add3A_445 = vector.broadcast %add3A_444 : f32 to vector<2048x128xf32>
    %add3A_446 = arith.addf %convert_element_type3A_8, %add3A_445 : vector<2048x128xf32>
    %gt3A_447 = arith.cmpf ogt, %slice3A_442, %max3A_437 : vector<2048x128xf32>
    %min3A_448 = arith.minimumf %max3A_437, %slice3A_442 : vector<2048x128xf32>
    %select_n3A_449 = arith.select %gt3A_447, %select_n3A_438, %add3A_446 : vector<2048x128xi1>, vector<2048x128xf32>
    %max3A_450 = arith.maximumf %max3A_437, %slice3A_442 : vector<2048x128xf32>
    %select_n3A_451 = arith.select %gt3A_447, %add3A_446, %select_n3A_438 : vector<2048x128xi1>, vector<2048x128xf32>
    %gt3A_452 = arith.cmpf ogt, %min3A_448, %max3A_440 : vector<2048x128xf32>
    %max3A_453 = arith.maximumf %max3A_440, %min3A_448 : vector<2048x128xf32>
    %select_n3A_454 = arith.select %gt3A_452, %select_n3A_449, %select_n3A_441 : vector<2048x128xi1>, vector<2048x128xf32>
    %slice3A_455 = vector.extract_strided_slice %dot_general3A_7 {offsets = [0, 4480], sizes = [2048, 128], strides = [1, 1]} : vector<2048x5120xf32> to vector<2048x128xf32>
    %add3A_456 = arith.constant 4.480000e+03 : f32
    %add3A_457 = arith.addf %convert_element_type3A_10, %add3A_456 : f32
    %add3A_458 = vector.broadcast %add3A_457 : f32 to vector<2048x128xf32>
    %add3A_459 = arith.addf %convert_element_type3A_8, %add3A_458 : vector<2048x128xf32>
    %gt3A_460 = arith.cmpf ogt, %slice3A_455, %max3A_450 : vector<2048x128xf32>
    %min3A_461 = arith.minimumf %max3A_450, %slice3A_455 : vector<2048x128xf32>
    %select_n3A_462 = arith.select %gt3A_460, %select_n3A_451, %add3A_459 : vector<2048x128xi1>, vector<2048x128xf32>
    %max3A_463 = arith.maximumf %max3A_450, %slice3A_455 : vector<2048x128xf32>
    %select_n3A_464 = arith.select %gt3A_460, %add3A_459, %select_n3A_451 : vector<2048x128xi1>, vector<2048x128xf32>
    %gt3A_465 = arith.cmpf ogt, %min3A_461, %max3A_453 : vector<2048x128xf32>
    %max3A_466 = arith.maximumf %max3A_453, %min3A_461 : vector<2048x128xf32>
    %select_n3A_467 = arith.select %gt3A_465, %select_n3A_462, %select_n3A_454 : vector<2048x128xi1>, vector<2048x128xf32>
    %slice3A_468 = vector.extract_strided_slice %dot_general3A_7 {offsets = [0, 4608], sizes = [2048, 128], strides = [1, 1]} : vector<2048x5120xf32> to vector<2048x128xf32>
    %add3A_469 = arith.constant 4.608000e+03 : f32
    %add3A_470 = arith.addf %convert_element_type3A_10, %add3A_469 : f32
    %add3A_471 = vector.broadcast %add3A_470 : f32 to vector<2048x128xf32>
    %add3A_472 = arith.addf %convert_element_type3A_8, %add3A_471 : vector<2048x128xf32>
    %gt3A_473 = arith.cmpf ogt, %slice3A_468, %max3A_463 : vector<2048x128xf32>
    %min3A_474 = arith.minimumf %max3A_463, %slice3A_468 : vector<2048x128xf32>
    %select_n3A_475 = arith.select %gt3A_473, %select_n3A_464, %add3A_472 : vector<2048x128xi1>, vector<2048x128xf32>
    %max3A_476 = arith.maximumf %max3A_463, %slice3A_468 : vector<2048x128xf32>
    %select_n3A_477 = arith.select %gt3A_473, %add3A_472, %select_n3A_464 : vector<2048x128xi1>, vector<2048x128xf32>
    %gt3A_478 = arith.cmpf ogt, %min3A_474, %max3A_466 : vector<2048x128xf32>
    %max3A_479 = arith.maximumf %max3A_466, %min3A_474 : vector<2048x128xf32>
    %select_n3A_480 = arith.select %gt3A_478, %select_n3A_475, %select_n3A_467 : vector<2048x128xi1>, vector<2048x128xf32>
    %slice3A_481 = vector.extract_strided_slice %dot_general3A_7 {offsets = [0, 4736], sizes = [2048, 128], strides = [1, 1]} : vector<2048x5120xf32> to vector<2048x128xf32>
    %add3A_482 = arith.constant 4.736000e+03 : f32
    %add3A_483 = arith.addf %convert_element_type3A_10, %add3A_482 : f32
    %add3A_484 = vector.broadcast %add3A_483 : f32 to vector<2048x128xf32>
    %add3A_485 = arith.addf %convert_element_type3A_8, %add3A_484 : vector<2048x128xf32>
    %gt3A_486 = arith.cmpf ogt, %slice3A_481, %max3A_476 : vector<2048x128xf32>
    %min3A_487 = arith.minimumf %max3A_476, %slice3A_481 : vector<2048x128xf32>
    %select_n3A_488 = arith.select %gt3A_486, %select_n3A_477, %add3A_485 : vector<2048x128xi1>, vector<2048x128xf32>
    %max3A_489 = arith.maximumf %max3A_476, %slice3A_481 : vector<2048x128xf32>
    %select_n3A_490 = arith.select %gt3A_486, %add3A_485, %select_n3A_477 : vector<2048x128xi1>, vector<2048x128xf32>
    %gt3A_491 = arith.cmpf ogt, %min3A_487, %max3A_479 : vector<2048x128xf32>
    %max3A_492 = arith.maximumf %max3A_479, %min3A_487 : vector<2048x128xf32>
    %select_n3A_493 = arith.select %gt3A_491, %select_n3A_488, %select_n3A_480 : vector<2048x128xi1>, vector<2048x128xf32>
    %slice3A_494 = vector.extract_strided_slice %dot_general3A_7 {offsets = [0, 4864], sizes = [2048, 128], strides = [1, 1]} : vector<2048x5120xf32> to vector<2048x128xf32>
    %add3A_495 = arith.constant 4.864000e+03 : f32
    %add3A_496 = arith.addf %convert_element_type3A_10, %add3A_495 : f32
    %add3A_497 = vector.broadcast %add3A_496 : f32 to vector<2048x128xf32>
    %add3A_498 = arith.addf %convert_element_type3A_8, %add3A_497 : vector<2048x128xf32>
    %gt3A_499 = arith.cmpf ogt, %slice3A_494, %max3A_489 : vector<2048x128xf32>
    %min3A_500 = arith.minimumf %max3A_489, %slice3A_494 : vector<2048x128xf32>
    %select_n3A_501 = arith.select %gt3A_499, %select_n3A_490, %add3A_498 : vector<2048x128xi1>, vector<2048x128xf32>
    %max3A_502 = arith.maximumf %max3A_489, %slice3A_494 : vector<2048x128xf32>
    %select_n3A_503 = arith.select %gt3A_499, %add3A_498, %select_n3A_490 : vector<2048x128xi1>, vector<2048x128xf32>
    %gt3A_504 = arith.cmpf ogt, %min3A_500, %max3A_492 : vector<2048x128xf32>
    %max3A_505 = arith.maximumf %max3A_492, %min3A_500 : vector<2048x128xf32>
    %select_n3A_506 = arith.select %gt3A_504, %select_n3A_501, %select_n3A_493 : vector<2048x128xi1>, vector<2048x128xf32>
    %slice3A_507 = vector.extract_strided_slice %dot_general3A_7 {offsets = [0, 4992], sizes = [2048, 128], strides = [1, 1]} : vector<2048x5120xf32> to vector<2048x128xf32>
    %add3A_508 = arith.constant 4.992000e+03 : f32
    %add3A_509 = arith.addf %convert_element_type3A_10, %add3A_508 : f32
    %add3A_510 = vector.broadcast %add3A_509 : f32 to vector<2048x128xf32>
    %add3A_511 = arith.addf %convert_element_type3A_8, %add3A_510 : vector<2048x128xf32>
    %gt3A_512 = arith.cmpf ogt, %slice3A_507, %max3A_502 : vector<2048x128xf32>
    %min3A_513 = arith.minimumf %max3A_502, %slice3A_507 : vector<2048x128xf32>
    %select_n3A_514 = arith.select %gt3A_512, %select_n3A_503, %add3A_511 : vector<2048x128xi1>, vector<2048x128xf32>
    %max3A_515 = arith.maximumf %max3A_502, %slice3A_507 : vector<2048x128xf32>
    %select_n3A_516 = arith.select %gt3A_512, %add3A_511, %select_n3A_503 : vector<2048x128xi1>, vector<2048x128xf32>
    %gt3A_517 = arith.cmpf ogt, %min3A_513, %max3A_505 : vector<2048x128xf32>
    %max3A_518 = arith.maximumf %max3A_505, %min3A_513 : vector<2048x128xf32>
    %select_n3A_519 = arith.select %gt3A_517, %select_n3A_514, %select_n3A_506 : vector<2048x128xi1>, vector<2048x128xf32>
    %get3A_520 = arith.constant 0 : index
    %get3A_521 = arith.constant 0 : index
    %get3A_522 = vector.load %arg6[%get3A_520, %get3A_521] : memref<2048x8xf32, #tpu.memory_space<vmem>>, vector<2048x8xf32>
    %get3A_523 = arith.constant 0 : index
    %get3A_524 = arith.constant 0 : index
    %get3A_525 = vector.load %arg7[%get3A_523, %get3A_524] : memref<2048x8xf32, #tpu.memory_space<vmem>>, vector<2048x8xf32>
    %reduce_max3A = arith.constant dense<0xFF800000> : vector<2048xf32>
    %reduce_max3A_526 = vector.multi_reduction <maximumf>, %max3A_515, %reduce_max3A [1] : vector<2048x128xf32> to vector<2048xf32>
    %broadcast_in_dim3A_527 = vector.shape_cast %reduce_max3A_526 : vector<2048xf32> to vector<2048x1xf32>
    %reduce_max3A_528 = arith.constant dense<0xFF800000> : vector<2048xf32>
    %reduce_max3A_529 = vector.multi_reduction <maximumf>, %get3A_522, %reduce_max3A_528 [1] : vector<2048x8xf32> to vector<2048xf32>
    %broadcast_in_dim3A_530 = vector.shape_cast %reduce_max3A_529 : vector<2048xf32> to vector<2048x1xf32>
    %max3A_531 = arith.maximumf %broadcast_in_dim3A_527, %broadcast_in_dim3A_530 : vector<2048x1xf32>
    %eq3A_532 = vector.broadcast %max3A_531 : vector<2048x1xf32> to vector<2048x128xf32>
    %eq3A_533 = arith.cmpf oeq, %max3A_515, %eq3A_532 : vector<2048x128xf32>
    %eq3A_534 = vector.broadcast %max3A_531 : vector<2048x1xf32> to vector<2048x8xf32>
    %eq3A_535 = arith.cmpf oeq, %get3A_522, %eq3A_534 : vector<2048x8xf32>
    %jit3A = arith.constant -1.000000e+00 : f32
    %broadcast_in_dim3A_536 = vector.broadcast %jit3A : f32 to vector<2048x128xf32>
    %select_n3A_537 = arith.select %eq3A_533, %select_n3A_516, %broadcast_in_dim3A_536 : vector<2048x128xi1>, vector<2048x128xf32>
    %reduce_max3A_538 = arith.constant dense<0xFF800000> : vector<2048xf32>
    %reduce_max3A_539 = vector.multi_reduction <maximumf>, %select_n3A_537, %reduce_max3A_538 [1] : vector<2048x128xf32> to vector<2048xf32>
    %broadcast_in_dim3A_540 = vector.shape_cast %reduce_max3A_539 : vector<2048xf32> to vector<2048x1xf32>
    %jit3A_541 = arith.constant -1.000000e+00 : f32
    %broadcast_in_dim3A_542 = vector.broadcast %jit3A_541 : f32 to vector<2048x8xf32>
    %select_n3A_543 = arith.select %eq3A_535, %get3A_525, %broadcast_in_dim3A_542 : vector<2048x8xi1>, vector<2048x8xf32>
    %reduce_max3A_544 = arith.constant dense<0xFF800000> : vector<2048xf32>
    %reduce_max3A_545 = vector.multi_reduction <maximumf>, %select_n3A_543, %reduce_max3A_544 [1] : vector<2048x8xf32> to vector<2048xf32>
    %broadcast_in_dim3A_546 = vector.shape_cast %reduce_max3A_545 : vector<2048xf32> to vector<2048x1xf32>
    %max3A_547 = arith.maximumf %broadcast_in_dim3A_540, %broadcast_in_dim3A_546 : vector<2048x1xf32>
    %eq3A_548 = vector.broadcast %max3A_547 : vector<2048x1xf32> to vector<2048x128xf32>
    %eq3A_549 = arith.cmpf oeq, %select_n3A_516, %eq3A_548 : vector<2048x128xf32>
    %and3A = arith.andi %eq3A_533, %eq3A_549 : vector<2048x128xi1>
    %select_n3A_550 = arith.select %and3A, %max3A_518, %max3A_515 : vector<2048x128xi1>, vector<2048x128xf32>
    %select_n3A_551 = arith.select %and3A, %select_n3A_519, %select_n3A_516 : vector<2048x128xi1>, vector<2048x128xf32>
    %jit3A_552 = arith.constant -1.000000e+30 : f32
    %broadcast_in_dim3A_553 = vector.broadcast %jit3A_552 : f32 to vector<2048x128xf32>
    %select_n3A_554 = arith.select %and3A, %broadcast_in_dim3A_553, %max3A_518 : vector<2048x128xi1>, vector<2048x128xf32>
    %eq3A_555 = vector.broadcast %max3A_547 : vector<2048x1xf32> to vector<2048x8xf32>
    %eq3A_556 = arith.cmpf oeq, %get3A_525, %eq3A_555 : vector<2048x8xf32>
    %and3A_557 = arith.andi %eq3A_535, %eq3A_556 : vector<2048x8xi1>
    %jit3A_558 = arith.constant -1.000000e+30 : f32
    %broadcast_in_dim3A_559 = vector.broadcast %jit3A_558 : f32 to vector<2048x8xf32>
    %select_n3A_560 = arith.select %and3A_557, %broadcast_in_dim3A_559, %get3A_522 : vector<2048x8xi1>, vector<2048x8xf32>
    %reduce_max3A_561 = arith.constant dense<0xFF800000> : vector<2048xf32>
    %reduce_max3A_562 = vector.multi_reduction <maximumf>, %select_n3A_550, %reduce_max3A_561 [1] : vector<2048x128xf32> to vector<2048xf32>
    %broadcast_in_dim3A_563 = vector.shape_cast %reduce_max3A_562 : vector<2048xf32> to vector<2048x1xf32>
    %reduce_max3A_564 = arith.constant dense<0xFF800000> : vector<2048xf32>
    %reduce_max3A_565 = vector.multi_reduction <maximumf>, %select_n3A_560, %reduce_max3A_564 [1] : vector<2048x8xf32> to vector<2048xf32>
    %broadcast_in_dim3A_566 = vector.shape_cast %reduce_max3A_565 : vector<2048xf32> to vector<2048x1xf32>
    %max3A_567 = arith.maximumf %broadcast_in_dim3A_563, %broadcast_in_dim3A_566 : vector<2048x1xf32>
    %eq3A_568 = vector.broadcast %max3A_567 : vector<2048x1xf32> to vector<2048x128xf32>
    %eq3A_569 = arith.cmpf oeq, %select_n3A_550, %eq3A_568 : vector<2048x128xf32>
    %eq3A_570 = vector.broadcast %max3A_567 : vector<2048x1xf32> to vector<2048x8xf32>
    %eq3A_571 = arith.cmpf oeq, %select_n3A_560, %eq3A_570 : vector<2048x8xf32>
    %jit3A_572 = arith.constant -1.000000e+00 : f32
    %broadcast_in_dim3A_573 = vector.broadcast %jit3A_572 : f32 to vector<2048x128xf32>
    %select_n3A_574 = arith.select %eq3A_569, %select_n3A_551, %broadcast_in_dim3A_573 : vector<2048x128xi1>, vector<2048x128xf32>
    %reduce_max3A_575 = arith.constant dense<0xFF800000> : vector<2048xf32>
    %reduce_max3A_576 = vector.multi_reduction <maximumf>, %select_n3A_574, %reduce_max3A_575 [1] : vector<2048x128xf32> to vector<2048xf32>
    %broadcast_in_dim3A_577 = vector.shape_cast %reduce_max3A_576 : vector<2048xf32> to vector<2048x1xf32>
    %jit3A_578 = arith.constant -1.000000e+00 : f32
    %broadcast_in_dim3A_579 = vector.broadcast %jit3A_578 : f32 to vector<2048x8xf32>
    %select_n3A_580 = arith.select %eq3A_571, %get3A_525, %broadcast_in_dim3A_579 : vector<2048x8xi1>, vector<2048x8xf32>
    %reduce_max3A_581 = arith.constant dense<0xFF800000> : vector<2048xf32>
    %reduce_max3A_582 = vector.multi_reduction <maximumf>, %select_n3A_580, %reduce_max3A_581 [1] : vector<2048x8xf32> to vector<2048xf32>
    %broadcast_in_dim3A_583 = vector.shape_cast %reduce_max3A_582 : vector<2048xf32> to vector<2048x1xf32>
    %max3A_584 = arith.maximumf %broadcast_in_dim3A_577, %broadcast_in_dim3A_583 : vector<2048x1xf32>
    %eq3A_585 = vector.broadcast %max3A_584 : vector<2048x1xf32> to vector<2048x128xf32>
    %eq3A_586 = arith.cmpf oeq, %select_n3A_551, %eq3A_585 : vector<2048x128xf32>
    %and3A_587 = arith.andi %eq3A_569, %eq3A_586 : vector<2048x128xi1>
    %select_n3A_588 = arith.select %and3A_587, %select_n3A_554, %select_n3A_550 : vector<2048x128xi1>, vector<2048x128xf32>
    %select_n3A_589 = arith.select %and3A_587, %select_n3A_519, %select_n3A_551 : vector<2048x128xi1>, vector<2048x128xf32>
    %jit3A_590 = arith.constant -1.000000e+30 : f32
    %broadcast_in_dim3A_591 = vector.broadcast %jit3A_590 : f32 to vector<2048x128xf32>
    %select_n3A_592 = arith.select %and3A_587, %broadcast_in_dim3A_591, %select_n3A_554 : vector<2048x128xi1>, vector<2048x128xf32>
    %eq3A_593 = vector.broadcast %max3A_584 : vector<2048x1xf32> to vector<2048x8xf32>
    %eq3A_594 = arith.cmpf oeq, %get3A_525, %eq3A_593 : vector<2048x8xf32>
    %and3A_595 = arith.andi %eq3A_571, %eq3A_594 : vector<2048x8xi1>
    %jit3A_596 = arith.constant -1.000000e+30 : f32
    %broadcast_in_dim3A_597 = vector.broadcast %jit3A_596 : f32 to vector<2048x8xf32>
    %select_n3A_598 = arith.select %and3A_595, %broadcast_in_dim3A_597, %select_n3A_560 : vector<2048x8xi1>, vector<2048x8xf32>
    %reduce_max3A_599 = arith.constant dense<0xFF800000> : vector<2048xf32>
    %reduce_max3A_600 = vector.multi_reduction <maximumf>, %select_n3A_588, %reduce_max3A_599 [1] : vector<2048x128xf32> to vector<2048xf32>
    %broadcast_in_dim3A_601 = vector.shape_cast %reduce_max3A_600 : vector<2048xf32> to vector<2048x1xf32>
    %reduce_max3A_602 = arith.constant dense<0xFF800000> : vector<2048xf32>
    %reduce_max3A_603 = vector.multi_reduction <maximumf>, %select_n3A_598, %reduce_max3A_602 [1] : vector<2048x8xf32> to vector<2048xf32>
    %broadcast_in_dim3A_604 = vector.shape_cast %reduce_max3A_603 : vector<2048xf32> to vector<2048x1xf32>
    %max3A_605 = arith.maximumf %broadcast_in_dim3A_601, %broadcast_in_dim3A_604 : vector<2048x1xf32>
    %eq3A_606 = vector.broadcast %max3A_605 : vector<2048x1xf32> to vector<2048x128xf32>
    %eq3A_607 = arith.cmpf oeq, %select_n3A_588, %eq3A_606 : vector<2048x128xf32>
    %eq3A_608 = vector.broadcast %max3A_605 : vector<2048x1xf32> to vector<2048x8xf32>
    %eq3A_609 = arith.cmpf oeq, %select_n3A_598, %eq3A_608 : vector<2048x8xf32>
    %jit3A_610 = arith.constant -1.000000e+00 : f32
    %broadcast_in_dim3A_611 = vector.broadcast %jit3A_610 : f32 to vector<2048x128xf32>
    %select_n3A_612 = arith.select %eq3A_607, %select_n3A_589, %broadcast_in_dim3A_611 : vector<2048x128xi1>, vector<2048x128xf32>
    %reduce_max3A_613 = arith.constant dense<0xFF800000> : vector<2048xf32>
    %reduce_max3A_614 = vector.multi_reduction <maximumf>, %select_n3A_612, %reduce_max3A_613 [1] : vector<2048x128xf32> to vector<2048xf32>
    %broadcast_in_dim3A_615 = vector.shape_cast %reduce_max3A_614 : vector<2048xf32> to vector<2048x1xf32>
    %jit3A_616 = arith.constant -1.000000e+00 : f32
    %broadcast_in_dim3A_617 = vector.broadcast %jit3A_616 : f32 to vector<2048x8xf32>
    %select_n3A_618 = arith.select %eq3A_609, %get3A_525, %broadcast_in_dim3A_617 : vector<2048x8xi1>, vector<2048x8xf32>
    %reduce_max3A_619 = arith.constant dense<0xFF800000> : vector<2048xf32>
    %reduce_max3A_620 = vector.multi_reduction <maximumf>, %select_n3A_618, %reduce_max3A_619 [1] : vector<2048x8xf32> to vector<2048xf32>
    %broadcast_in_dim3A_621 = vector.shape_cast %reduce_max3A_620 : vector<2048xf32> to vector<2048x1xf32>
    %max3A_622 = arith.maximumf %broadcast_in_dim3A_615, %broadcast_in_dim3A_621 : vector<2048x1xf32>
    %eq3A_623 = vector.broadcast %max3A_622 : vector<2048x1xf32> to vector<2048x128xf32>
    %eq3A_624 = arith.cmpf oeq, %select_n3A_589, %eq3A_623 : vector<2048x128xf32>
    %and3A_625 = arith.andi %eq3A_607, %eq3A_624 : vector<2048x128xi1>
    %select_n3A_626 = arith.select %and3A_625, %select_n3A_592, %select_n3A_588 : vector<2048x128xi1>, vector<2048x128xf32>
    %select_n3A_627 = arith.select %and3A_625, %select_n3A_519, %select_n3A_589 : vector<2048x128xi1>, vector<2048x128xf32>
    %jit3A_628 = arith.constant -1.000000e+30 : f32
    %broadcast_in_dim3A_629 = vector.broadcast %jit3A_628 : f32 to vector<2048x128xf32>
    %select_n3A_630 = arith.select %and3A_625, %broadcast_in_dim3A_629, %select_n3A_592 : vector<2048x128xi1>, vector<2048x128xf32>
    %eq3A_631 = vector.broadcast %max3A_622 : vector<2048x1xf32> to vector<2048x8xf32>
    %eq3A_632 = arith.cmpf oeq, %get3A_525, %eq3A_631 : vector<2048x8xf32>
    %and3A_633 = arith.andi %eq3A_609, %eq3A_632 : vector<2048x8xi1>
    %jit3A_634 = arith.constant -1.000000e+30 : f32
    %broadcast_in_dim3A_635 = vector.broadcast %jit3A_634 : f32 to vector<2048x8xf32>
    %select_n3A_636 = arith.select %and3A_633, %broadcast_in_dim3A_635, %select_n3A_598 : vector<2048x8xi1>, vector<2048x8xf32>
    %reduce_max3A_637 = arith.constant dense<0xFF800000> : vector<2048xf32>
    %reduce_max3A_638 = vector.multi_reduction <maximumf>, %select_n3A_626, %reduce_max3A_637 [1] : vector<2048x128xf32> to vector<2048xf32>
    %broadcast_in_dim3A_639 = vector.shape_cast %reduce_max3A_638 : vector<2048xf32> to vector<2048x1xf32>
    %reduce_max3A_640 = arith.constant dense<0xFF800000> : vector<2048xf32>
    %reduce_max3A_641 = vector.multi_reduction <maximumf>, %select_n3A_636, %reduce_max3A_640 [1] : vector<2048x8xf32> to vector<2048xf32>
    %broadcast_in_dim3A_642 = vector.shape_cast %reduce_max3A_641 : vector<2048xf32> to vector<2048x1xf32>
    %max3A_643 = arith.maximumf %broadcast_in_dim3A_639, %broadcast_in_dim3A_642 : vector<2048x1xf32>
    %eq3A_644 = vector.broadcast %max3A_643 : vector<2048x1xf32> to vector<2048x128xf32>
    %eq3A_645 = arith.cmpf oeq, %select_n3A_626, %eq3A_644 : vector<2048x128xf32>
    %eq3A_646 = vector.broadcast %max3A_643 : vector<2048x1xf32> to vector<2048x8xf32>
    %eq3A_647 = arith.cmpf oeq, %select_n3A_636, %eq3A_646 : vector<2048x8xf32>
    %jit3A_648 = arith.constant -1.000000e+00 : f32
    %broadcast_in_dim3A_649 = vector.broadcast %jit3A_648 : f32 to vector<2048x128xf32>
    %select_n3A_650 = arith.select %eq3A_645, %select_n3A_627, %broadcast_in_dim3A_649 : vector<2048x128xi1>, vector<2048x128xf32>
    %reduce_max3A_651 = arith.constant dense<0xFF800000> : vector<2048xf32>
    %reduce_max3A_652 = vector.multi_reduction <maximumf>, %select_n3A_650, %reduce_max3A_651 [1] : vector<2048x128xf32> to vector<2048xf32>
    %broadcast_in_dim3A_653 = vector.shape_cast %reduce_max3A_652 : vector<2048xf32> to vector<2048x1xf32>
    %jit3A_654 = arith.constant -1.000000e+00 : f32
    %broadcast_in_dim3A_655 = vector.broadcast %jit3A_654 : f32 to vector<2048x8xf32>
    %select_n3A_656 = arith.select %eq3A_647, %get3A_525, %broadcast_in_dim3A_655 : vector<2048x8xi1>, vector<2048x8xf32>
    %reduce_max3A_657 = arith.constant dense<0xFF800000> : vector<2048xf32>
    %reduce_max3A_658 = vector.multi_reduction <maximumf>, %select_n3A_656, %reduce_max3A_657 [1] : vector<2048x8xf32> to vector<2048xf32>
    %broadcast_in_dim3A_659 = vector.shape_cast %reduce_max3A_658 : vector<2048xf32> to vector<2048x1xf32>
    %max3A_660 = arith.maximumf %broadcast_in_dim3A_653, %broadcast_in_dim3A_659 : vector<2048x1xf32>
    %eq3A_661 = vector.broadcast %max3A_660 : vector<2048x1xf32> to vector<2048x128xf32>
    %eq3A_662 = arith.cmpf oeq, %select_n3A_627, %eq3A_661 : vector<2048x128xf32>
    %and3A_663 = arith.andi %eq3A_645, %eq3A_662 : vector<2048x128xi1>
    %select_n3A_664 = arith.select %and3A_663, %select_n3A_630, %select_n3A_626 : vector<2048x128xi1>, vector<2048x128xf32>
    %select_n3A_665 = arith.select %and3A_663, %select_n3A_519, %select_n3A_627 : vector<2048x128xi1>, vector<2048x128xf32>
    %jit3A_666 = arith.constant -1.000000e+30 : f32
    %broadcast_in_dim3A_667 = vector.broadcast %jit3A_666 : f32 to vector<2048x128xf32>
    %select_n3A_668 = arith.select %and3A_663, %broadcast_in_dim3A_667, %select_n3A_630 : vector<2048x128xi1>, vector<2048x128xf32>
    %eq3A_669 = vector.broadcast %max3A_660 : vector<2048x1xf32> to vector<2048x8xf32>
    %eq3A_670 = arith.cmpf oeq, %get3A_525, %eq3A_669 : vector<2048x8xf32>
    %and3A_671 = arith.andi %eq3A_647, %eq3A_670 : vector<2048x8xi1>
    %jit3A_672 = arith.constant -1.000000e+30 : f32
    %broadcast_in_dim3A_673 = vector.broadcast %jit3A_672 : f32 to vector<2048x8xf32>
    %select_n3A_674 = arith.select %and3A_671, %broadcast_in_dim3A_673, %select_n3A_636 : vector<2048x8xi1>, vector<2048x8xf32>
    %reduce_max3A_675 = arith.constant dense<0xFF800000> : vector<2048xf32>
    %reduce_max3A_676 = vector.multi_reduction <maximumf>, %select_n3A_664, %reduce_max3A_675 [1] : vector<2048x128xf32> to vector<2048xf32>
    %broadcast_in_dim3A_677 = vector.shape_cast %reduce_max3A_676 : vector<2048xf32> to vector<2048x1xf32>
    %reduce_max3A_678 = arith.constant dense<0xFF800000> : vector<2048xf32>
    %reduce_max3A_679 = vector.multi_reduction <maximumf>, %select_n3A_674, %reduce_max3A_678 [1] : vector<2048x8xf32> to vector<2048xf32>
    %broadcast_in_dim3A_680 = vector.shape_cast %reduce_max3A_679 : vector<2048xf32> to vector<2048x1xf32>
    %max3A_681 = arith.maximumf %broadcast_in_dim3A_677, %broadcast_in_dim3A_680 : vector<2048x1xf32>
    %eq3A_682 = vector.broadcast %max3A_681 : vector<2048x1xf32> to vector<2048x128xf32>
    %eq3A_683 = arith.cmpf oeq, %select_n3A_664, %eq3A_682 : vector<2048x128xf32>
    %eq3A_684 = vector.broadcast %max3A_681 : vector<2048x1xf32> to vector<2048x8xf32>
    %eq3A_685 = arith.cmpf oeq, %select_n3A_674, %eq3A_684 : vector<2048x8xf32>
    %jit3A_686 = arith.constant -1.000000e+00 : f32
    %broadcast_in_dim3A_687 = vector.broadcast %jit3A_686 : f32 to vector<2048x128xf32>
    %select_n3A_688 = arith.select %eq3A_683, %select_n3A_665, %broadcast_in_dim3A_687 : vector<2048x128xi1>, vector<2048x128xf32>
    %reduce_max3A_689 = arith.constant dense<0xFF800000> : vector<2048xf32>
    %reduce_max3A_690 = vector.multi_reduction <maximumf>, %select_n3A_688, %reduce_max3A_689 [1] : vector<2048x128xf32> to vector<2048xf32>
    %broadcast_in_dim3A_691 = vector.shape_cast %reduce_max3A_690 : vector<2048xf32> to vector<2048x1xf32>
    %jit3A_692 = arith.constant -1.000000e+00 : f32
    %broadcast_in_dim3A_693 = vector.broadcast %jit3A_692 : f32 to vector<2048x8xf32>
    %select_n3A_694 = arith.select %eq3A_685, %get3A_525, %broadcast_in_dim3A_693 : vector<2048x8xi1>, vector<2048x8xf32>
    %reduce_max3A_695 = arith.constant dense<0xFF800000> : vector<2048xf32>
    %reduce_max3A_696 = vector.multi_reduction <maximumf>, %select_n3A_694, %reduce_max3A_695 [1] : vector<2048x8xf32> to vector<2048xf32>
    %broadcast_in_dim3A_697 = vector.shape_cast %reduce_max3A_696 : vector<2048xf32> to vector<2048x1xf32>
    %max3A_698 = arith.maximumf %broadcast_in_dim3A_691, %broadcast_in_dim3A_697 : vector<2048x1xf32>
    %eq3A_699 = vector.broadcast %max3A_698 : vector<2048x1xf32> to vector<2048x128xf32>
    %eq3A_700 = arith.cmpf oeq, %select_n3A_665, %eq3A_699 : vector<2048x128xf32>
    %and3A_701 = arith.andi %eq3A_683, %eq3A_700 : vector<2048x128xi1>
    %select_n3A_702 = arith.select %and3A_701, %select_n3A_668, %select_n3A_664 : vector<2048x128xi1>, vector<2048x128xf32>
    %select_n3A_703 = arith.select %and3A_701, %select_n3A_519, %select_n3A_665 : vector<2048x128xi1>, vector<2048x128xf32>
    %jit3A_704 = arith.constant -1.000000e+30 : f32
    %broadcast_in_dim3A_705 = vector.broadcast %jit3A_704 : f32 to vector<2048x128xf32>
    %select_n3A_706 = arith.select %and3A_701, %broadcast_in_dim3A_705, %select_n3A_668 : vector<2048x128xi1>, vector<2048x128xf32>
    %eq3A_707 = vector.broadcast %max3A_698 : vector<2048x1xf32> to vector<2048x8xf32>
    %eq3A_708 = arith.cmpf oeq, %get3A_525, %eq3A_707 : vector<2048x8xf32>
    %and3A_709 = arith.andi %eq3A_685, %eq3A_708 : vector<2048x8xi1>
    %jit3A_710 = arith.constant -1.000000e+30 : f32
    %broadcast_in_dim3A_711 = vector.broadcast %jit3A_710 : f32 to vector<2048x8xf32>
    %select_n3A_712 = arith.select %and3A_709, %broadcast_in_dim3A_711, %select_n3A_674 : vector<2048x8xi1>, vector<2048x8xf32>
    %reduce_max3A_713 = arith.constant dense<0xFF800000> : vector<2048xf32>
    %reduce_max3A_714 = vector.multi_reduction <maximumf>, %select_n3A_702, %reduce_max3A_713 [1] : vector<2048x128xf32> to vector<2048xf32>
    %broadcast_in_dim3A_715 = vector.shape_cast %reduce_max3A_714 : vector<2048xf32> to vector<2048x1xf32>
    %reduce_max3A_716 = arith.constant dense<0xFF800000> : vector<2048xf32>
    %reduce_max3A_717 = vector.multi_reduction <maximumf>, %select_n3A_712, %reduce_max3A_716 [1] : vector<2048x8xf32> to vector<2048xf32>
    %broadcast_in_dim3A_718 = vector.shape_cast %reduce_max3A_717 : vector<2048xf32> to vector<2048x1xf32>
    %max3A_719 = arith.maximumf %broadcast_in_dim3A_715, %broadcast_in_dim3A_718 : vector<2048x1xf32>
    %eq3A_720 = vector.broadcast %max3A_719 : vector<2048x1xf32> to vector<2048x128xf32>
    %eq3A_721 = arith.cmpf oeq, %select_n3A_702, %eq3A_720 : vector<2048x128xf32>
    %eq3A_722 = vector.broadcast %max3A_719 : vector<2048x1xf32> to vector<2048x8xf32>
    %eq3A_723 = arith.cmpf oeq, %select_n3A_712, %eq3A_722 : vector<2048x8xf32>
    %jit3A_724 = arith.constant -1.000000e+00 : f32
    %broadcast_in_dim3A_725 = vector.broadcast %jit3A_724 : f32 to vector<2048x128xf32>
    %select_n3A_726 = arith.select %eq3A_721, %select_n3A_703, %broadcast_in_dim3A_725 : vector<2048x128xi1>, vector<2048x128xf32>
    %reduce_max3A_727 = arith.constant dense<0xFF800000> : vector<2048xf32>
    %reduce_max3A_728 = vector.multi_reduction <maximumf>, %select_n3A_726, %reduce_max3A_727 [1] : vector<2048x128xf32> to vector<2048xf32>
    %broadcast_in_dim3A_729 = vector.shape_cast %reduce_max3A_728 : vector<2048xf32> to vector<2048x1xf32>
    %jit3A_730 = arith.constant -1.000000e+00 : f32
    %broadcast_in_dim3A_731 = vector.broadcast %jit3A_730 : f32 to vector<2048x8xf32>
    %select_n3A_732 = arith.select %eq3A_723, %get3A_525, %broadcast_in_dim3A_731 : vector<2048x8xi1>, vector<2048x8xf32>
    %reduce_max3A_733 = arith.constant dense<0xFF800000> : vector<2048xf32>
    %reduce_max3A_734 = vector.multi_reduction <maximumf>, %select_n3A_732, %reduce_max3A_733 [1] : vector<2048x8xf32> to vector<2048xf32>
    %broadcast_in_dim3A_735 = vector.shape_cast %reduce_max3A_734 : vector<2048xf32> to vector<2048x1xf32>
    %max3A_736 = arith.maximumf %broadcast_in_dim3A_729, %broadcast_in_dim3A_735 : vector<2048x1xf32>
    %eq3A_737 = vector.broadcast %max3A_736 : vector<2048x1xf32> to vector<2048x128xf32>
    %eq3A_738 = arith.cmpf oeq, %select_n3A_703, %eq3A_737 : vector<2048x128xf32>
    %and3A_739 = arith.andi %eq3A_721, %eq3A_738 : vector<2048x128xi1>
    %select_n3A_740 = arith.select %and3A_739, %select_n3A_706, %select_n3A_702 : vector<2048x128xi1>, vector<2048x128xf32>
    %select_n3A_741 = arith.select %and3A_739, %select_n3A_519, %select_n3A_703 : vector<2048x128xi1>, vector<2048x128xf32>
    %jit3A_742 = arith.constant -1.000000e+30 : f32
    %broadcast_in_dim3A_743 = vector.broadcast %jit3A_742 : f32 to vector<2048x128xf32>
    %select_n3A_744 = arith.select %and3A_739, %broadcast_in_dim3A_743, %select_n3A_706 : vector<2048x128xi1>, vector<2048x128xf32>
    %eq3A_745 = vector.broadcast %max3A_736 : vector<2048x1xf32> to vector<2048x8xf32>
    %eq3A_746 = arith.cmpf oeq, %get3A_525, %eq3A_745 : vector<2048x8xf32>
    %and3A_747 = arith.andi %eq3A_723, %eq3A_746 : vector<2048x8xi1>
    %jit3A_748 = arith.constant -1.000000e+30 : f32
    %broadcast_in_dim3A_749 = vector.broadcast %jit3A_748 : f32 to vector<2048x8xf32>
    %select_n3A_750 = arith.select %and3A_747, %broadcast_in_dim3A_749, %select_n3A_712 : vector<2048x8xi1>, vector<2048x8xf32>
    %reduce_max3A_751 = arith.constant dense<0xFF800000> : vector<2048xf32>
    %reduce_max3A_752 = vector.multi_reduction <maximumf>, %select_n3A_740, %reduce_max3A_751 [1] : vector<2048x128xf32> to vector<2048xf32>
    %broadcast_in_dim3A_753 = vector.shape_cast %reduce_max3A_752 : vector<2048xf32> to vector<2048x1xf32>
    %reduce_max3A_754 = arith.constant dense<0xFF800000> : vector<2048xf32>
    %reduce_max3A_755 = vector.multi_reduction <maximumf>, %select_n3A_750, %reduce_max3A_754 [1] : vector<2048x8xf32> to vector<2048xf32>
    %broadcast_in_dim3A_756 = vector.shape_cast %reduce_max3A_755 : vector<2048xf32> to vector<2048x1xf32>
    %max3A_757 = arith.maximumf %broadcast_in_dim3A_753, %broadcast_in_dim3A_756 : vector<2048x1xf32>
    %eq3A_758 = vector.broadcast %max3A_757 : vector<2048x1xf32> to vector<2048x128xf32>
    %eq3A_759 = arith.cmpf oeq, %select_n3A_740, %eq3A_758 : vector<2048x128xf32>
    %eq3A_760 = vector.broadcast %max3A_757 : vector<2048x1xf32> to vector<2048x8xf32>
    %eq3A_761 = arith.cmpf oeq, %select_n3A_750, %eq3A_760 : vector<2048x8xf32>
    %jit3A_762 = arith.constant -1.000000e+00 : f32
    %broadcast_in_dim3A_763 = vector.broadcast %jit3A_762 : f32 to vector<2048x128xf32>
    %select_n3A_764 = arith.select %eq3A_759, %select_n3A_741, %broadcast_in_dim3A_763 : vector<2048x128xi1>, vector<2048x128xf32>
    %reduce_max3A_765 = arith.constant dense<0xFF800000> : vector<2048xf32>
    %reduce_max3A_766 = vector.multi_reduction <maximumf>, %select_n3A_764, %reduce_max3A_765 [1] : vector<2048x128xf32> to vector<2048xf32>
    %broadcast_in_dim3A_767 = vector.shape_cast %reduce_max3A_766 : vector<2048xf32> to vector<2048x1xf32>
    %jit3A_768 = arith.constant -1.000000e+00 : f32
    %broadcast_in_dim3A_769 = vector.broadcast %jit3A_768 : f32 to vector<2048x8xf32>
    %select_n3A_770 = arith.select %eq3A_761, %get3A_525, %broadcast_in_dim3A_769 : vector<2048x8xi1>, vector<2048x8xf32>
    %reduce_max3A_771 = arith.constant dense<0xFF800000> : vector<2048xf32>
    %reduce_max3A_772 = vector.multi_reduction <maximumf>, %select_n3A_770, %reduce_max3A_771 [1] : vector<2048x8xf32> to vector<2048xf32>
    %broadcast_in_dim3A_773 = vector.shape_cast %reduce_max3A_772 : vector<2048xf32> to vector<2048x1xf32>
    %max3A_774 = arith.maximumf %broadcast_in_dim3A_767, %broadcast_in_dim3A_773 : vector<2048x1xf32>
    %eq3A_775 = vector.broadcast %max3A_774 : vector<2048x1xf32> to vector<2048x128xf32>
    %eq3A_776 = arith.cmpf oeq, %select_n3A_741, %eq3A_775 : vector<2048x128xf32>
    %and3A_777 = arith.andi %eq3A_759, %eq3A_776 : vector<2048x128xi1>
    %select_n3A_778 = arith.select %and3A_777, %select_n3A_744, %select_n3A_740 : vector<2048x128xi1>, vector<2048x128xf32>
    %select_n3A_779 = arith.select %and3A_777, %select_n3A_519, %select_n3A_741 : vector<2048x128xi1>, vector<2048x128xf32>
    %eq3A_780 = vector.broadcast %max3A_774 : vector<2048x1xf32> to vector<2048x8xf32>
    %eq3A_781 = arith.cmpf oeq, %get3A_525, %eq3A_780 : vector<2048x8xf32>
    %and3A_782 = arith.andi %eq3A_761, %eq3A_781 : vector<2048x8xi1>
    %jit3A_783 = arith.constant -1.000000e+30 : f32
    %broadcast_in_dim3A_784 = vector.broadcast %jit3A_783 : f32 to vector<2048x8xf32>
    %select_n3A_785 = arith.select %and3A_782, %broadcast_in_dim3A_784, %select_n3A_750 : vector<2048x8xi1>, vector<2048x8xf32>
    %reduce_max3A_786 = arith.constant dense<0xFF800000> : vector<2048xf32>
    %reduce_max3A_787 = vector.multi_reduction <maximumf>, %select_n3A_778, %reduce_max3A_786 [1] : vector<2048x128xf32> to vector<2048xf32>
    %broadcast_in_dim3A_788 = vector.shape_cast %reduce_max3A_787 : vector<2048xf32> to vector<2048x1xf32>
    %reduce_max3A_789 = arith.constant dense<0xFF800000> : vector<2048xf32>
    %reduce_max3A_790 = vector.multi_reduction <maximumf>, %select_n3A_785, %reduce_max3A_789 [1] : vector<2048x8xf32> to vector<2048xf32>
    %broadcast_in_dim3A_791 = vector.shape_cast %reduce_max3A_790 : vector<2048xf32> to vector<2048x1xf32>
    %max3A_792 = arith.maximumf %broadcast_in_dim3A_788, %broadcast_in_dim3A_791 : vector<2048x1xf32>
    %eq3A_793 = vector.broadcast %max3A_792 : vector<2048x1xf32> to vector<2048x128xf32>
    %eq3A_794 = arith.cmpf oeq, %select_n3A_778, %eq3A_793 : vector<2048x128xf32>
    %eq3A_795 = vector.broadcast %max3A_792 : vector<2048x1xf32> to vector<2048x8xf32>
    %eq3A_796 = arith.cmpf oeq, %select_n3A_785, %eq3A_795 : vector<2048x8xf32>
    %jit3A_797 = arith.constant -1.000000e+00 : f32
    %broadcast_in_dim3A_798 = vector.broadcast %jit3A_797 : f32 to vector<2048x128xf32>
    %select_n3A_799 = arith.select %eq3A_794, %select_n3A_779, %broadcast_in_dim3A_798 : vector<2048x128xi1>, vector<2048x128xf32>
    %reduce_max3A_800 = arith.constant dense<0xFF800000> : vector<2048xf32>
    %reduce_max3A_801 = vector.multi_reduction <maximumf>, %select_n3A_799, %reduce_max3A_800 [1] : vector<2048x128xf32> to vector<2048xf32>
    %broadcast_in_dim3A_802 = vector.shape_cast %reduce_max3A_801 : vector<2048xf32> to vector<2048x1xf32>
    %jit3A_803 = arith.constant -1.000000e+00 : f32
    %broadcast_in_dim3A_804 = vector.broadcast %jit3A_803 : f32 to vector<2048x8xf32>
    %select_n3A_805 = arith.select %eq3A_796, %get3A_525, %broadcast_in_dim3A_804 : vector<2048x8xi1>, vector<2048x8xf32>
    %reduce_max3A_806 = arith.constant dense<0xFF800000> : vector<2048xf32>
    %reduce_max3A_807 = vector.multi_reduction <maximumf>, %select_n3A_805, %reduce_max3A_806 [1] : vector<2048x8xf32> to vector<2048xf32>
    %broadcast_in_dim3A_808 = vector.shape_cast %reduce_max3A_807 : vector<2048xf32> to vector<2048x1xf32>
    %max3A_809 = arith.maximumf %broadcast_in_dim3A_802, %broadcast_in_dim3A_808 : vector<2048x1xf32>
    %concatenate3A = tpu.concatenate %max3A_531, %max3A_567, %max3A_605, %max3A_643, %max3A_681, %max3A_719, %max3A_757, %max3A_792 in 1 : vector<2048x1xf32>, vector<2048x1xf32>, vector<2048x1xf32>, vector<2048x1xf32>, vector<2048x1xf32>, vector<2048x1xf32>, vector<2048x1xf32>, vector<2048x1xf32> -> vector<2048x8xf32>
    %swap3A = arith.constant 0 : index
    %swap3A_810 = arith.constant 0 : index
    %swap3A_811 = vector.load %arg6[%swap3A, %swap3A_810] : memref<2048x8xf32, #tpu.memory_space<vmem>>, vector<2048x8xf32>
    tpu.vector_store %arg6[%swap3A, %swap3A_810], %concatenate3A {strides = array<i32>} : memref<2048x8xf32, #tpu.memory_space<vmem>>, vector<2048x8xf32>,
    %concatenate3A_812 = tpu.concatenate %max3A_547, %max3A_584, %max3A_622, %max3A_660, %max3A_698, %max3A_736, %max3A_774, %max3A_809 in 1 : vector<2048x1xf32>, vector<2048x1xf32>, vector<2048x1xf32>, vector<2048x1xf32>, vector<2048x1xf32>, vector<2048x1xf32>, vector<2048x1xf32>, vector<2048x1xf32> -> vector<2048x8xf32>
    %swap3A_813 = arith.constant 0 : index
    %swap3A_814 = arith.constant 0 : index
    %swap3A_815 = vector.load %arg7[%swap3A_813, %swap3A_814] : memref<2048x8xf32, #tpu.memory_space<vmem>>, vector<2048x8xf32>
    tpu.vector_store %arg7[%swap3A_813, %swap3A_814], %concatenate3A_812 {strides = array<i32>} : memref<2048x8xf32, #tpu.memory_space<vmem>>, vector<2048x8xf32>,
    %eq3A_816 = arith.constant 19 : i32
    %eq3A_817 = arith.cmpi eq, %arg1, %eq3A_816 : i32
    %convert_element_type3A_818 = arith.extui %eq3A_817 : i1 to i32
    %cond3A_819 = arith.constant 0 : i32
    %cond3A_820 = arith.cmpi ne, %convert_element_type3A_818, %cond3A_819 : i32
    scf.if %cond3A_820 {
      %get3A_821 = arith.constant 0 : index
      %get3A_822 = arith.constant 0 : index
      %get3A_823 = vector.load %arg6[%get3A_821, %get3A_822] : memref<2048x8xf32, #tpu.memory_space<vmem>>, vector<2048x8xf32>
      %reduce_max3A_824 = arith.constant dense<0xFF800000> : vector<2048xf32>
      %reduce_max3A_825 = vector.multi_reduction <maximumf>, %get3A_823, %reduce_max3A_824 [1] : vector<2048x8xf32> to vector<2048xf32>
      %broadcast_in_dim3A_826 = vector.shape_cast %reduce_max3A_825 : vector<2048xf32> to vector<2048x1xf32>
      %sub3A = vector.broadcast %broadcast_in_dim3A_826 : vector<2048x1xf32> to vector<2048x8xf32>
      %sub3A_827 = arith.subf %get3A_823, %sub3A : vector<2048x8xf32>
      %exp3A = math.exp %sub3A_827 : vector<2048x8xf32>
      %reduce_sum3A = arith.constant dense<0.000000e+00> : vector<2048xf32>
      %reduce_sum3A_828 = vector.multi_reduction <add>, %exp3A, %reduce_sum3A [1] : vector<2048x8xf32> to vector<2048xf32>
      %broadcast_in_dim3A_829 = vector.shape_cast %reduce_sum3A_828 : vector<2048xf32> to vector<2048x1xf32>
      %div3A = vector.broadcast %broadcast_in_dim3A_829 : vector<2048x1xf32> to vector<2048x8xf32>
      %div3A_830 = arith.divf %exp3A, %div3A : vector<2048x8xf32>
      %swap3A_831 = arith.constant 0 : index
      %swap3A_832 = arith.constant 0 : index
      %swap3A_833 = vector.load %arg5[%swap3A_831, %swap3A_832] : memref<2048x8xf32, #tpu.memory_space<vmem>>, vector<2048x8xf32>
      tpu.vector_store %arg5[%swap3A_831, %swap3A_832], %div3A_830 {strides = array<i32>} : memref<2048x8xf32, #tpu.memory_space<vmem>>, vector<2048x8xf32>,
      %get3A_834 = arith.constant 0 : index
      %get3A_835 = arith.constant 0 : index
      %get3A_836 = vector.load %arg7[%get3A_834, %get3A_835] : memref<2048x8xf32, #tpu.memory_space<vmem>>, vector<2048x8xf32>
      %convert_element_type3A_837 = arith.fptosi %get3A_836 : vector<2048x8xf32> to vector<2048x8xi32>
      %swap3A_838 = arith.constant 0 : index
      %swap3A_839 = arith.constant 0 : index
      %swap3A_840 = vector.load %arg4[%swap3A_838, %swap3A_839] : memref<2048x8xi32, #tpu.memory_space<vmem>>, vector<2048x8xi32>
      tpu.vector_store %arg4[%swap3A_838, %swap3A_839], %convert_element_type3A_837 {strides = array<i32>} : memref<2048x8xi32, #tpu.memory_space<vmem>>, vector<2048x8xi32>,
    } else {
    }
    return
  }
  func.func @transform_0(%arg0: i32, %arg1: i32) -> (i32, i32) {
    %c0_i32 = arith.constant 0 : i32
    %c0_i32_0 = arith.constant 0 : i32
    return %arg0, %c0_i32 : i32, i32
  }
  func.func @transform_1(%arg0: i32, %arg1: i32) -> (i32, i32) {
    %c0_i32 = arith.constant 0 : i32
    %c0_i32_0 = arith.constant 0 : i32
    return %arg1, %c0_i32 : i32, i32
  }
  func.func @transform_2(%arg0: i32, %arg1: i32) -> (i32, i32) {
    %c0_i32 = arith.constant 0 : i32
    %c0_i32_0 = arith.constant 0 : i32
    return %arg0, %c0_i32 : i32, i32
  }
  func.func @transform_3(%arg0: i32, %arg1: i32) -> (i32, i32) {
    %c0_i32 = arith.constant 0 : i32
    %c0_i32_0 = arith.constant 0 : i32
    return %arg0, %c0_i32 : i32, i32
  }
}

module attributes {stable_mosaic.version = 14 : i64} {
  func.func @_wsum_body(%arg0: i32, %arg1: memref<2048x8x128xf32, #tpu.memory_space<vmem>>, %arg2: memref<2048x8xf32, #tpu.memory_space<vmem>>, %arg3: memref<2048x128xf32, #tpu.memory_space<vmem>>) attributes {dimension_semantics = [#tpu.dimension_semantics<arbitrary>], iteration_bounds = array<i64: 2>, scalar_prefetch = 0 : i64, scratch_operands = 0 : i64, tpu.core_type = #tpu.core_type<tc>, window_params = [{transform_indices = @transform_0, window_bounds = array<i64: 2048, 8, 128>}, {transform_indices = @transform_1, window_bounds = array<i64: 2048, 8>}, {transform_indices = @transform_2, window_bounds = array<i64: 2048, 128>}]} {
    %get3A = arith.constant 0 : index
    %get3A_0 = arith.constant 0 : index
    %get3A_1 = vector.load %arg2[%get3A, %get3A_0] : memref<2048x8xf32, #tpu.memory_space<vmem>>, vector<2048x8xf32>
    %get3A_2 = arith.constant 0 : index
    %get3A_3 = arith.constant 0 : index
    %get3A_4 = arith.constant 0 : index
    %get3A_5 = vector.load %arg1[%get3A_2, %get3A_3, %get3A_4] : memref<2048x8x128xf32, #tpu.memory_space<vmem>>, vector<2048x1x128xf32>
    %get3A_6 = vector.shape_cast %get3A_5 : vector<2048x1x128xf32> to vector<2048x128xf32>
    %slice3A = vector.extract_strided_slice %get3A_1 {offsets = [0, 0], sizes = [2048, 1], strides = [1, 1]} : vector<2048x8xf32> to vector<2048x1xf32>
    %mul3A = vector.broadcast %slice3A : vector<2048x1xf32> to vector<2048x128xf32>
    %mul3A_7 = arith.mulf %get3A_6, %mul3A : vector<2048x128xf32>
    %get3A_8 = arith.constant 0 : index
    %get3A_9 = arith.constant 1 : index
    %get3A_10 = arith.constant 0 : index
    %get3A_11 = vector.load %arg1[%get3A_8, %get3A_9, %get3A_10] : memref<2048x8x128xf32, #tpu.memory_space<vmem>>, vector<2048x1x128xf32>
    %get3A_12 = vector.shape_cast %get3A_11 : vector<2048x1x128xf32> to vector<2048x128xf32>
    %slice3A_13 = vector.extract_strided_slice %get3A_1 {offsets = [0, 1], sizes = [2048, 1], strides = [1, 1]} : vector<2048x8xf32> to vector<2048x1xf32>
    %mul3A_14 = vector.broadcast %slice3A_13 : vector<2048x1xf32> to vector<2048x128xf32>
    %mul3A_15 = arith.mulf %get3A_12, %mul3A_14 : vector<2048x128xf32>
    %add3A = arith.addf %mul3A_7, %mul3A_15 : vector<2048x128xf32>
    %get3A_16 = arith.constant 0 : index
    %get3A_17 = arith.constant 2 : index
    %get3A_18 = arith.constant 0 : index
    %get3A_19 = vector.load %arg1[%get3A_16, %get3A_17, %get3A_18] : memref<2048x8x128xf32, #tpu.memory_space<vmem>>, vector<2048x1x128xf32>
    %get3A_20 = vector.shape_cast %get3A_19 : vector<2048x1x128xf32> to vector<2048x128xf32>
    %slice3A_21 = vector.extract_strided_slice %get3A_1 {offsets = [0, 2], sizes = [2048, 1], strides = [1, 1]} : vector<2048x8xf32> to vector<2048x1xf32>
    %mul3A_22 = vector.broadcast %slice3A_21 : vector<2048x1xf32> to vector<2048x128xf32>
    %mul3A_23 = arith.mulf %get3A_20, %mul3A_22 : vector<2048x128xf32>
    %add3A_24 = arith.addf %add3A, %mul3A_23 : vector<2048x128xf32>
    %get3A_25 = arith.constant 0 : index
    %get3A_26 = arith.constant 3 : index
    %get3A_27 = arith.constant 0 : index
    %get3A_28 = vector.load %arg1[%get3A_25, %get3A_26, %get3A_27] : memref<2048x8x128xf32, #tpu.memory_space<vmem>>, vector<2048x1x128xf32>
    %get3A_29 = vector.shape_cast %get3A_28 : vector<2048x1x128xf32> to vector<2048x128xf32>
    %slice3A_30 = vector.extract_strided_slice %get3A_1 {offsets = [0, 3], sizes = [2048, 1], strides = [1, 1]} : vector<2048x8xf32> to vector<2048x1xf32>
    %mul3A_31 = vector.broadcast %slice3A_30 : vector<2048x1xf32> to vector<2048x128xf32>
    %mul3A_32 = arith.mulf %get3A_29, %mul3A_31 : vector<2048x128xf32>
    %add3A_33 = arith.addf %add3A_24, %mul3A_32 : vector<2048x128xf32>
    %get3A_34 = arith.constant 0 : index
    %get3A_35 = arith.constant 4 : index
    %get3A_36 = arith.constant 0 : index
    %get3A_37 = vector.load %arg1[%get3A_34, %get3A_35, %get3A_36] : memref<2048x8x128xf32, #tpu.memory_space<vmem>>, vector<2048x1x128xf32>
    %get3A_38 = vector.shape_cast %get3A_37 : vector<2048x1x128xf32> to vector<2048x128xf32>
    %slice3A_39 = vector.extract_strided_slice %get3A_1 {offsets = [0, 4], sizes = [2048, 1], strides = [1, 1]} : vector<2048x8xf32> to vector<2048x1xf32>
    %mul3A_40 = vector.broadcast %slice3A_39 : vector<2048x1xf32> to vector<2048x128xf32>
    %mul3A_41 = arith.mulf %get3A_38, %mul3A_40 : vector<2048x128xf32>
    %add3A_42 = arith.addf %add3A_33, %mul3A_41 : vector<2048x128xf32>
    %get3A_43 = arith.constant 0 : index
    %get3A_44 = arith.constant 5 : index
    %get3A_45 = arith.constant 0 : index
    %get3A_46 = vector.load %arg1[%get3A_43, %get3A_44, %get3A_45] : memref<2048x8x128xf32, #tpu.memory_space<vmem>>, vector<2048x1x128xf32>
    %get3A_47 = vector.shape_cast %get3A_46 : vector<2048x1x128xf32> to vector<2048x128xf32>
    %slice3A_48 = vector.extract_strided_slice %get3A_1 {offsets = [0, 5], sizes = [2048, 1], strides = [1, 1]} : vector<2048x8xf32> to vector<2048x1xf32>
    %mul3A_49 = vector.broadcast %slice3A_48 : vector<2048x1xf32> to vector<2048x128xf32>
    %mul3A_50 = arith.mulf %get3A_47, %mul3A_49 : vector<2048x128xf32>
    %add3A_51 = arith.addf %add3A_42, %mul3A_50 : vector<2048x128xf32>
    %get3A_52 = arith.constant 0 : index
    %get3A_53 = arith.constant 6 : index
    %get3A_54 = arith.constant 0 : index
    %get3A_55 = vector.load %arg1[%get3A_52, %get3A_53, %get3A_54] : memref<2048x8x128xf32, #tpu.memory_space<vmem>>, vector<2048x1x128xf32>
    %get3A_56 = vector.shape_cast %get3A_55 : vector<2048x1x128xf32> to vector<2048x128xf32>
    %slice3A_57 = vector.extract_strided_slice %get3A_1 {offsets = [0, 6], sizes = [2048, 1], strides = [1, 1]} : vector<2048x8xf32> to vector<2048x1xf32>
    %mul3A_58 = vector.broadcast %slice3A_57 : vector<2048x1xf32> to vector<2048x128xf32>
    %mul3A_59 = arith.mulf %get3A_56, %mul3A_58 : vector<2048x128xf32>
    %add3A_60 = arith.addf %add3A_51, %mul3A_59 : vector<2048x128xf32>
    %get3A_61 = arith.constant 0 : index
    %get3A_62 = arith.constant 7 : index
    %get3A_63 = arith.constant 0 : index
    %get3A_64 = vector.load %arg1[%get3A_61, %get3A_62, %get3A_63] : memref<2048x8x128xf32, #tpu.memory_space<vmem>>, vector<2048x1x128xf32>
    %get3A_65 = vector.shape_cast %get3A_64 : vector<2048x1x128xf32> to vector<2048x128xf32>
    %slice3A_66 = vector.extract_strided_slice %get3A_1 {offsets = [0, 7], sizes = [2048, 1], strides = [1, 1]} : vector<2048x8xf32> to vector<2048x1xf32>
    %mul3A_67 = vector.broadcast %slice3A_66 : vector<2048x1xf32> to vector<2048x128xf32>
    %mul3A_68 = arith.mulf %get3A_65, %mul3A_67 : vector<2048x128xf32>
    %add3A_69 = arith.addf %add3A_60, %mul3A_68 : vector<2048x128xf32>
    %swap3A = arith.constant 0 : index
    %swap3A_70 = arith.constant 0 : index
    %swap3A_71 = vector.load %arg3[%swap3A, %swap3A_70] : memref<2048x128xf32, #tpu.memory_space<vmem>>, vector<2048x128xf32>
    tpu.vector_store %arg3[%swap3A, %swap3A_70], %add3A_69 {strides = array<i32>} : memref<2048x128xf32, #tpu.memory_space<vmem>>, vector<2048x128xf32>,
    return
  }
  func.func @transform_0(%arg0: i32) -> (i32, i32, i32) {
    %c0_i32 = arith.constant 0 : i32
    %c0_i32_0 = arith.constant 0 : i32
    %c0_i32_1 = arith.constant 0 : i32
    return %arg0, %c0_i32, %c0_i32_0 : i32, i32, i32
  }
  func.func @transform_1(%arg0: i32) -> (i32, i32) {
    %c0_i32 = arith.constant 0 : i32
    %c0_i32_0 = arith.constant 0 : i32
    return %arg0, %c0_i32 : i32, i32
  }
  func.func @transform_2(%arg0: i32) -> (i32, i32) {
    %c0_i32 = arith.constant 0 : i32
    %c0_i32_0 = arith.constant 0 : i32
    return %arg0, %c0_i32 : i32, i32
  }
}

</mosaic_0001>

<sc_bundles>
// kernel: kernel.6.cloned.1.call-start
scs
__scs_entry_jumppad:
0x0: {  	(pc) =	sbr.rel $0x88, $3  }
0x1: {  	(tag) =	ssettag $0x0;
	lr =	simm.s32 $0x1  }
0x2: {  	[smem:$0x3F9E] =	sst lr;
	_ =	strace $0xD0000000  }
0x3: {  	_ = 	snop  }
0x4: {  	_ = 	snop  }
0x5: {  	_ = 	snop  }
0x6: {  	_ = 	snop  }
0x7: {  	_ = 	snop  }
__scs_overlays_trampoline_lowered:
0x8: {  	[smem:$0x3FAD] =	sst s0  }
0x9: {  	[smem:$0x3FAE] =	sst s1  }
0xa: {  	[smem:$0x3FAF] =	sst s2  }
0xb: {  	[smem:$0x3FB0] =	sst s3  }
0xc: {  	[smem:$0x3FB1] =	sst s4  }
0xd: {  	[smem:$0x3FB2] =	sst s5  }
0xe: {  	[smem:$0x3FB3] =	sst s6  }
0xf: {  	[smem:$0x3FB4] =	sst s7  }
0x10: {  	[smem:$0x3FB5] =	sst s8  }
0x11: {  	[smem:$0x3FB6] =	sst s9;
	s0 =	simm.s32 @!p0 $0x0  }
0x12: {  	s1 =	sld [smem:$0x3F9C];
	s0 =	simm.s32 @p0 $0x1  }
0x13: {  	[smem:$0x3FB7] =	sst s0;
	s0 =	simm.s32 @!p1 $0x0  }
0x14: {  	s2 =	sld [smem:$0x3F9B];
	s0 =	simm.s32 @p1 $0x1  }
0x15: {  	[smem:$0x3FB8] =	sst s0;
	s0 =	simm.s32 @!p2 $0x0  }
0x16: {  	s3 =	sld [smem:$0x3FDB];
	s0 =	simm.s32 @p2 $0x1  }
0x17: {  	s4 =	simm.s32 $0x1BF5;
	[smem:$0x3FBA] =	sst s0  }
0x18: {  	s0 =	sld [smem:$0x3F9D];
	_ =	swait.ge [sflag:s4], $0x0  }
0x19: {  	s7 =	sld [smem:$0x3F9E]  }
0x1a: {  	s8 =	sadd.s32 $0xFFFFE003, lr  }
0x1b: {  	s9 =	sadd.s32 $0xFFFFFEF7, lr;
	s5 =	simm.s32 $0xFFFFFFFF;
	p2 =	slt.u32 s8, $0xFFFFF086  }
0x1c: {  	p1 =	slt.u32 s9, $0xF7A;
	s5 =	simm.s32 @!p2 $0x0  }
0x1d: {  	s5 =	simm.s32 @p1 $0x1;
	p0 =	seq.s32 s7, s2  }
0x1e: {  	s7 =	smul.u32 @!p0 $0xF7A, s2;
	p2 =	seq.s32 @!p0 s5, $0x0  }
0x1f: {  	s9 =	smul.u32 $0xF7A, s1;
	s8 =	simm.s32 @!p0 $0x1BF5;
	p2 =	por !p2, p0  }
0x20: {  	[sflag:s8] =	ssyncset.s32 @!p0 $0xFFFFF086;
	s6 =	sadd.s32 @!p0 s3, s7;
	s7 =	simm.s32 @!p0 $0x108  }
0x21: {  	s3 =	sadd.s32 s3, s9;
	s6 =	sadd.s32 @!p0 $0x88, s6;
	s7 =	simm.s32 @p2 $0x1082  }
0x22: {  	[simem:s7], [sflag:s8] =	dma.local @!p0 [hbm:s6], $0xF7A  }
0x23: {  	s9 =	sor.u32 $0xD0000000, s2;
	s6 =	simm.s32 $0x108;
	_ =	swait.ge @!p0 [sflag:s8], $0x0  }
0x24: {  	s3 =	sadd.s32 $0x88, s3;
	s6 =	simm.s32 @!p1 $0x1082;
	[sflag:s4] =	ssyncset.s32 $0xFFFFF086  }
0x25: {  	[simem:s6], [sflag:s4] =	dma.local [hbm:s3], $0xF7A  }
0x26: {  	[smem:$0x3F9E] =	sst s1;
	(tag) =	ssettag s2;
	_ =	strace s9  }
0x27: {  	s1 =	sld [smem:$0x3FAE]  }
0x28: {  	s2 =	sld [smem:$0x3FAF]  }
0x29: {  	s4 =	sld [smem:$0x3FB1]  }
0x2a: {  	p0 =	seq.s32 s5, $0x0;
	s5 =	sld [smem:$0x3FB2]  }
0x2b: {  	s6 =	sld [smem:$0x3FB3]  }
0x2c: {  	s7 =	sld [smem:$0x3FB4]  }
0x2d: {  	s3 =	simm.s32 $0x108;
	s8 =	sld [smem:$0x3FB5]  }
0x2e: {  	s3 =	simm.s32 @!p0 $0x1082;
	s9 =	sld [smem:$0x3FB6]  }
0x2f: {  	lr =	sadd.s32 s0, s3;
	s0 =	sld [smem:$0x3FAD]  }
0x30: {  	s3 =	sld [smem:$0x3FB0]  }
0x31: {  	[smem:$0x3FB9] =	sst s10  }
0x32: {  	s10 =	sld [smem:$0x3FB7];
	_ =	sdelay $0x3  }
0x33: {  	p0 =	seq.s32 s10, $0x1;
	s10 =	sld [smem:$0x3FB9];
	_ =	sdelay $0x3  }
0x34: {  	[smem:$0x3FB9] =	sst s10  }
0x35: {  	s10 =	sld [smem:$0x3FB8];
	_ =	sdelay $0x3  }
0x36: {  	p1 =	seq.s32 s10, $0x1;
	s10 =	sld [smem:$0x3FB9];
	_ =	sdelay $0x3  }
0x37: {  	[smem:$0x3FB9] =	sst s10  }
0x38: {  	s10 =	sld [smem:$0x3FBA]  }
0x39: {  	_ = 	snop;
	(pc) =	sbr.ind lr, $3  }
0x3a: {  	_ = 	snop  }
0x3b: {  	_ = 	snop  }
0x3c: {  	p2 =	seq.s32 s10, $0x1;
	s10 =	sld [smem:$0x3FB9]  }
0x3d: {  	_ =	shalt  }
0x3e: {  	_ =	shalt  }
0x3f: {  	_ =	shalt  }
0x40: {  	_ =	shalt  }
0x41: {  	_ =	shalt  }
0x42: {  	_ =	shalt  }
0x43: {  	_ =	shalt  }
0x44: {  	_ =	shalt  }
0x45: {  	_ =	shalt  }
0x46: {  	_ =	shalt  }
0x47: {  	_ =	shalt  }
0x48: {  	_ =	shalt  }
0x49: {  	_ =	shalt  }
0x4a: {  	_ =	shalt  }
0x4b: {  	_ =	shalt  }
0x4c: {  	_ =	shalt  }
0x4d: {  	_ =	shalt  }
0x4e: {  	_ =	shalt  }
0x4f: {  	_ =	shalt  }
0x50: {  	_ =	shalt  }
0x51: {  	_ =	shalt  }
0x52: {  	_ =	shalt  }
0x53: {  	_ =	shalt  }
0x54: {  	_ =	shalt  }
0x55: {  	_ =	shalt  }
0x56: {  	_ =	shalt  }
0x57: {  	_ =	shalt  }
0x58: {  	_ =	shalt  }
0x59: {  	_ =	shalt  }
0x5a: {  	_ =	shalt  }
0x5b: {  	_ =	shalt  }
0x5c: {  	_ =	shalt  }
0x5d: {  	_ =	shalt  }
0x5e: {  	_ =	shalt  }
0x5f: {  	_ =	shalt  }
0x60: {  	_ =	shalt  }
0x61: {  	_ =	shalt  }
0x62: {  	_ =	shalt  }
0x63: {  	_ =	shalt  }
0x64: {  	_ =	shalt  }
0x65: {  	_ =	shalt  }
0x66: {  	_ =	shalt  }
0x67: {  	_ =	shalt  }
0x68: {  	_ =	shalt  }
0x69: {  	_ =	shalt  }
0x6a: {  	_ =	shalt  }
0x6b: {  	_ =	shalt  }
0x6c: {  	_ =	shalt  }
0x6d: {  	_ =	shalt  }
0x6e: {  	_ =	shalt  }
0x6f: {  	_ =	shalt  }
0x70: {  	_ =	shalt  }
0x71: {  	_ =	shalt  }
0x72: {  	_ =	shalt  }
0x73: {  	_ =	shalt  }
0x74: {  	_ =	shalt  }
0x75: {  	_ =	shalt  }
0x76: {  	_ =	shalt  }
0x77: {  	_ =	shalt  }
0x78: {  	_ =	shalt  }
0x79: {  	_ =	shalt  }
0x7a: {  	_ =	shalt  }
0x7b: {  	_ =	shalt  }
0x7c: {  	_ =	shalt  }
0x7d: {  	_ =	shalt  }
0x7e: {  	_ =	shalt  }
0x7f: {  	_ =	shalt  }
0x80: {  	_ =	shalt  }
0x81: {  	_ =	shalt  }
0x82: {  	_ =	shalt  }
0x83: {  	_ =	shalt  }
0x84: {  	_ =	shalt  }
0x85: {  	_ =	shalt  }
0x86: {  	_ =	shalt  }
0x87: {  	_ =	shalt  }
.Lfunc_end0:
.L_simem_size_0:
called_computation_lowered:
.L_overlay_start_0:
0x88: {  	s2 =	sld [smem:$0x3FD9]  }
0x89: {  	s3 =	sld [smem:$0x3FFE];
	_ =	sdelay $0x1  }
0x8a: {  	s1 =	srdreg.scid  }
0x8b: {  	s0 =	sand.u32 $0x1, s1  }
0x8c: {  	s17 =	sshll.u32 s0, $0xA;
	s2 =	sadd.s32 s3, s2  }
0x8d: {  	s2 =	sadd.s32 s2, s17  }
0x8e: {  	[smem:$0x3FC5] =	sst s2  }
0x8f: {  	_ = 	snop  }
0x90: {  	s2 =	sld [smem:$0x3FC7]  }
0x91: {  	s18 =	sld [smem:$0x3FD0];
	(tm) =	ssettm $0x1  }
0x92: {  	s4 =	sld [smem:$0x3FFB];
	_ =	sdelay $0x3  }
0x93: {  	_ =	strace s4  }
0x94: {  	s4 =	sld [smem:$0x3FFC];
	_ =	sdelay $0x3  }
0x95: {  	_ =	strace s4  }
0x96: {  	s4 =	sld [smem:$0x3FFD];
	_ =	sdelay $0x3  }
0x97: {  	_ =	strace s4  }
0x98: {  	_ =	strace $0x8FFFFFFF  }
0x99: {  	s19 =	sld [smem:$0x3FDB];
	_ =	sdelay $0x1  }
0x9a: {  	s5 =	simm.s32 $_scs_section_size  }
0x9b: {  	s6 =	simm.s32 $_size__tile_overlayer_lowered;
	s7 =	simm.s32 $_tile_overlayer_lowered  }
0x9c: {  	s22 =	simm.s32 $0x1BFF;
	s21 =	sshll.u32 s7, $0x1;
	s4 =	sadd.s32 s5, s19  }
0x9d: {  	s8 =	simm.s32 $0x0;
	s20 =	sshll.u32 s6, $0x1;
	s6 =	sadd.s32 s21, s4  }
0x9e: {  	[timem:s8], [sflag:s22] =	dma.local [hbm:s6], s20  }
0x9f: {  	_ =	swait.ge [sflag:s22], s20  }
0xa0: {  	s5 =	ssub.s32 $0x0, s20;
	[sflag:s22] =	ssyncset.done $0x0  }
0xa1: {  	[sflag:s22] =	ssyncadd.s32 s5;
	_ =	sdelay $0x1  }
0xa2: {  	s23 =	simm.s32 $0x1B8B  }
0xa3: {  	_ =	swait.ge [sflag:s23], $0x1  }
0xa4: {  	[sflag:s23] =	ssyncset.done $0x0  }
0xa5: {  	s25 =	simm.s32 $0x1B8E;
	s24 =	sld [smem:$0x3FFE];
	[sflag:s23] =	ssyncadd.s32 $0xFFFFFFFF  }
0xa6: {  	s26 =	simm.s32 $execute0_lowered;
	[smem:$0x3FD2] =	sst s25  }
0xa7: {  	s6 =	sshll.u32 s26, $0x1;
	_ =	strace $0x80000046;
	[dreg:$0x1] =	wrdreg $0xFFFFFFFF  }
0xa8: {  	s28 =	simm.s32 $_size_execute0_lowered;
	s4 =	sadd.s32 s4, s6;
	[dreg:$0x0] =	wrdreg $0x0  }
0xa9: {  	s6 =	sshll.u32 s28, $0x1;
	[dreg:$0x2] =	wrdreg s4  }
0xaa: {  	[dreg:$0x3] =	wrdreg s6  }
0xab: {  	[dreg:$0x4] =	wrdreg $0xC0  }
0xac: {  	_ =	task [dreg:s8], $0x5FFFF  }
0xad: {  	[dreg:$0x1] =	wrdreg $0xFFFFFFFF  }
0xae: {  	[dreg:$0x0] =	wrdreg $0x60  }
0xaf: {  	[dreg:$0x2] =	wrdreg s2  }
0xb0: {  	[dreg:$0x3] =	wrdreg s18  }
0xb1: {  	[dreg:$0x4] =	wrdreg s24  }
0xb2: {  	[dreg:$0x5] =	wrdreg $0x9  }
0xb3: {  	_ =	task.clear_ibuf [dreg:s8], $0x6FFFF;
	_ =	strace $0x90000046  }
0xb4: {  	s29 =	simm.s32 $0x9;
	_ =	strace $0x80000048  }
0xb5: {  	_ =	swait.ge [sflag:s29], $0x1  }
0xb6: {  	[sflag:s29] =	ssyncadd.s32 $0xFFFFFFFF  }
0xb7: {  	_ =	strace $0x90000048  }
0xb8: {  	_ =	sfence  }
0xb9: {  	s30 =	sld [smem:$0x0];
	_ =	sdelay $0x2  }
0xba: {  	s31 =	sshll.u32 s1, $0xD;
	s1 =	sshrl.u32 s1, $0x2  }
0xbb: {  	s3 =	sand.u32 $0x4000, s31;
	s1 =	sadd.s32 s1, s30  }
0xbc: {  	s0 =	sor.u32 s3, s0;
	s1 =	sshll.u32 s1, $0x11  }
0xbd: {  	s0 =	sor.u32 s1, s0  }
0xbe: {  	s0 =	sadd.s32 $0x8F2B, s0  }
0xbf: {  	[sflag:s0] =	ssyncadd.remote.s32 $0x1  }
0xc0: {  	_ =	sfence.sel $0xFFFF  }
0xc1: {  	[dreg:$0x0] =	wrdreg $0xFFFFFFFF;
	(pc) =	sbr.abs _section_cstart, $3  }
0xc2: {  	[dreg:$0x1] =	wrdreg $0xFFFFFFFF  }
0xc3: {  	_ =	task.clear_ibuf [dreg:s8], $0x2FFFF;
	_ =	strace $0x9FFFFFFF  }
0xc4: {  	(tm) =	ssettm $0x7FFFFFFF  }
0xc5: {  	_ =	shalt  }
tec
execute0_lowered:
.L_overlay_start_1:
0x0: {  	(tag) =	ssettag $0x1  }
0x1: {  	s1 =	rddreg [dreg:$0x0];
	s2 =	srdreg.scid  }
0x2: {  	s4 =	rddreg [dreg:$0x1];
	s0 =	stileid.u32;
	s23 =	sand.u32 $0x1, s2  }
0x3: {  	s10 =	rddreg [dreg:$0x2];
	s5 =	sshll.u32 s0, $0xB;
	s6 =	sshll.u32 s23, $0xA  }
0x4: {  	s3 =	simm.s32 $0x0;
	s2 =	rddreg [dreg:$0x3];
	s11 =	sor.u32 s6, s5  }
0x5: {  	[smem:$0x7FF] =	sst s3;
	s5 =	sshrl.u32 s11, $0x3  }
0x6: {  	_ =	strace $0x80000047;
	s4 =	sadd.s32 s4, s5;
	s5 =	simm.s32 $0x4  }
0x7: {  	[tilespmem:s3], [sflag:$0x4] =	stream.linear.gather [hbm4b:s4+s3], $0x400, $0x38;
	[tilespmem:$0x10400] =	vst v63  }
0x8: {  	_ =	swait.ge [sflag:s5], $0x400  }
0x9: {  	[sflag:s5] =	ssyncset.done $0x0  }
0xa: {  	s7 =	simm.s32 $0x400;
	s6 =	simm.s32 $0x80;
	[sflag:s5] =	ssyncadd.s32 $0xFFFFFC00  }
0xb: {  	[tilespmem:s7], [sflag:$0x1] =	stream.indirect.gather [hbm4b:s1+s6], $0x80, s3, s6, $0xb8;
	[tilespmem:$0x10400] =	vst v63  }
0xc: {  	s8 =	simm.s32 $0x4400;
	s9 =	simm.s32 $0x1  }
0xd: {  	[tilespmem:s8], [sflag:$0x1] =	stream.indirect.gather [hbm4b:s1+s6], $0x80, s6, s6, $0xb8;
	[tilespmem:$0x10400] =	vst v63  }
0xe: {  	_ =	swait.ge [sflag:s9], $0x4000  }
0xf: {  	[sflag:s9] =	ssyncset.done $0x0  }
0x10: {  	[sflag:s9] =	ssyncadd.s32 $0xFFFFC000  }
0x11: {  	s11 =	sshll.u32 s11, $0x4;
	_ =	swait.ge [sflag:s9], $0x4000  }
0x12: {  	s24 =	sadd.s32 s11, s10;
	[sflag:s9] =	ssyncset.done $0x0  }
0x13: {  	s10 =	sadd.s32 $0xA00, s24;
	[sflag:s9] =	ssyncadd.s32 $0xFFFFC000  }
0x14: {  	[hbm4b:s10+s3] =	stream.linear.scatter [tilespmem:s7], [sflag:$0x2], $0x8000, $0x38;
	[tilespmem:$0x10400] =	vst v63  }
0x15: {  	s12 =	simm.s32 $0x8400;
	s11 =	simm.s32 $0x100  }
0x16: {  	[tilespmem:s12], [sflag:$0x1] =	stream.indirect.gather [hbm4b:s1+s6], $0x80, s11, s6, $0xb8;
	[tilespmem:$0x10400] =	vst v63  }
0x17: {  	s13 =	simm.s32 $0x180;
	s14 =	simm.s32 $0xC400  }
0x18: {  	[tilespmem:s14], [sflag:$0x1] =	stream.indirect.gather [hbm4b:s1+s6], $0x80, s13, s6, $0xb8;
	[tilespmem:$0x10400] =	vst v63  }
0x19: {  	_ =	swait.ge [sflag:s9], $0x4000  }
0x1a: {  	[sflag:s9] =	ssyncset.done $0x0  }
0x1b: {  	[sflag:s9] =	ssyncadd.s32 $0xFFFFC000  }
0x1c: {  	_ =	swait.ge [sflag:s9], $0x4000  }
0x1d: {  	[sflag:s9] =	ssyncset.done $0x0  }
0x1e: {  	s16 =	simm.s32 $0x2;
	s15 =	sadd.s32 $0x1A00, s24;
	[sflag:s9] =	ssyncadd.s32 $0xFFFFC000  }
0x1f: {  	[hbm4b:s15+s3] =	stream.linear.scatter [tilespmem:s12], [sflag:$0x3], $0x8000, $0x38;
	[tilespmem:$0x10400] =	vst v63  }
0x20: {  	_ =	swait.ge [sflag:s16], $0x8000  }
0x21: {  	[sflag:s16] =	ssyncset.done $0x0  }
0x22: {  	s17 =	simm.s32 $0x200;
	[sflag:s16] =	ssyncadd.s32 $0xFFFF8000  }
0x23: {  	[tilespmem:s7], [sflag:$0x1] =	stream.indirect.gather [hbm4b:s1+s6], $0x80, s17, s6, $0xb8;
	[tilespmem:$0x10400] =	vst v63  }
0x24: {  	s18 =	simm.s32 $0x280  }
0x25: {  	[tilespmem:s8], [sflag:$0x1] =	stream.indirect.gather [hbm4b:s1+s6], $0x80, s18, s6, $0xb8;
	[tilespmem:$0x10400] =	vst v63  }
0x26: {  	_ =	swait.ge [sflag:s9], $0x4000  }
0x27: {  	[sflag:s9] =	ssyncset.done $0x0  }
0x28: {  	[sflag:s9] =	ssyncadd.s32 $0xFFFFC000  }
0x29: {  	_ =	swait.ge [sflag:s9], $0x4000  }
0x2a: {  	[sflag:s9] =	ssyncset.done $0x0  }
0x2b: {  	s19 =	simm.s32 $0x3;
	s20 =	sadd.s32 $0x2A00, s24;
	[sflag:s9] =	ssyncadd.s32 $0xFFFFC000  }
0x2c: {  	[hbm4b:s20+s3] =	stream.linear.scatter [tilespmem:s7], [sflag:$0x2], $0x8000, $0x38;
	[tilespmem:$0x10400] =	vst v63  }
0x2d: {  	_ =	swait.ge [sflag:s19], $0x8000  }
0x2e: {  	[sflag:s19] =	ssyncset.done $0x0  }
0x2f: {  	s21 =	simm.s32 $0x300;
	[sflag:s19] =	ssyncadd.s32 $0xFFFF8000  }
0x30: {  	[tilespmem:s12], [sflag:$0x1] =	stream.indirect.gather [hbm4b:s1+s6], $0x80, s21, s6, $0xb8;
	[tilespmem:$0x10400] =	vst v63  }
0x31: {  	s22 =	simm.s32 $0x380  }
0x32: {  	[tilespmem:s14], [sflag:$0x1] =	stream.indirect.gather [hbm4b:s1+s6], $0x80, s22, s6, $0xb8;
	[tilespmem:$0x10400] =	vst v63  }
0x33: {  	_ =	swait.ge [sflag:s9], $0x4000  }
0x34: {  	s25 =	ssub.s32 $0x2, s23;
	[sflag:s9] =	ssyncset.done $0x0  }
0x35: {  	s31 =	sshrl.u32 s25, $0x1;
	[sflag:s9] =	ssyncadd.s32 $0xFFFFC000  }
0x36: {  	s23 =	sadd.s32 $0x3A00, s24;
	s24 =	ssub.s32 s25, s31;
	_ =	swait.ge [sflag:s9], $0x4000  }
0x37: {  	s24 =	smax.u32 s24, $0x1;
	[sflag:s9] =	ssyncset.done $0x0  }
0x38: {  	p0 =	sne.s32 s24, $0x1;
	[sflag:s9] =	ssyncadd.s32 $0xFFFFC000  }
0x39: {  	[hbm4b:s23+s3] =	stream.linear.scatter [tilespmem:s12], [sflag:$0x3], $0x8000, $0x38;
	[tilespmem:$0x10400] =	vst v63  }
.Ltmp0:
0x3a: {  	_ =	swait.ge [sflag:s16], $0x8000;
	(pc) =	sbr.rel @!p0 .LBB2_2-.Ltmp0, $4  }
0x3b: {  	[sflag:s16] =	ssyncset.done $0x0  }
0x3c: {  	[sflag:s16] =	ssyncadd.s32 $0xFFFF8000  }
0x3d: {  	_ =	swait.ge [sflag:s19], $0x8000  }
0x3e: {  	s24 =	sadd.s32 $0xFFFFFFFF, s24;
	[sflag:s19] =	ssyncset.done $0x0  }
.LBB2_1:
0x3f: {  	p0 =	sne.s32 s24, $0x1;
	s24 =	sadd.s32 $0xFFFFFFFF, s24;
	[sflag:s19] =	ssyncadd.s32 $0xFFFF8000  }
0x40: {  	[tilespmem:s3], [sflag:$0x4] =	stream.linear.gather [hbm4b:s4+s3], $0x400, $0x38;
	[tilespmem:$0x10400] =	vst v63  }
0x41: {  	_ =	swait.ge [sflag:s5], $0x400  }
0x42: {  	[sflag:s5] =	ssyncset.done $0x0  }
0x43: {  	[sflag:s5] =	ssyncadd.s32 $0xFFFFFC00  }
0x44: {  	[tilespmem:s7], [sflag:$0x1] =	stream.indirect.gather [hbm4b:s1+s6], $0x80, s3, s6, $0xb8;
	[tilespmem:$0x10400] =	vst v63  }
0x45: {  	_ = 	snop  }
0x46: {  	[tilespmem:s8], [sflag:$0x1] =	stream.indirect.gather [hbm4b:s1+s6], $0x80, s6, s6, $0xb8;
	[tilespmem:$0x10400] =	vst v63  }
0x47: {  	_ =	swait.ge [sflag:s9], $0x4000  }
0x48: {  	[sflag:s9] =	ssyncset.done $0x0  }
0x49: {  	[sflag:s9] =	ssyncadd.s32 $0xFFFFC000  }
0x4a: {  	_ =	swait.ge [sflag:s9], $0x4000  }
0x4b: {  	[sflag:s9] =	ssyncset.done $0x0  }
0x4c: {  	[sflag:s9] =	ssyncadd.s32 $0xFFFFC000  }
0x4d: {  	[hbm4b:s10+s3] =	stream.linear.scatter [tilespmem:s7], [sflag:$0x2], $0x8000, $0x38;
	[tilespmem:$0x10400] =	vst v63  }
0x4e: {  	_ = 	snop  }
0x4f: {  	[tilespmem:s12], [sflag:$0x1] =	stream.indirect.gather [hbm4b:s1+s6], $0x80, s11, s6, $0xb8;
	[tilespmem:$0x10400] =	vst v63  }
0x50: {  	_ = 	snop  }
0x51: {  	[tilespmem:s14], [sflag:$0x1] =	stream.indirect.gather [hbm4b:s1+s6], $0x80, s13, s6, $0xb8;
	[tilespmem:$0x10400] =	vst v63  }
0x52: {  	_ =	swait.ge [sflag:s9], $0x4000  }
0x53: {  	[sflag:s9] =	ssyncset.done $0x0  }
0x54: {  	[sflag:s9] =	ssyncadd.s32 $0xFFFFC000  }
0x55: {  	_ =	swait.ge [sflag:s9], $0x4000  }
0x56: {  	[sflag:s9] =	ssyncset.done $0x0  }
0x57: {  	[sflag:s9] =	ssyncadd.s32 $0xFFFFC000  }
0x58: {  	[hbm4b:s15+s3] =	stream.linear.scatter [tilespmem:s12], [sflag:$0x3], $0x8000, $0x38;
	[tilespmem:$0x10400] =	vst v63  }
0x59: {  	_ =	swait.ge [sflag:s16], $0x8000  }
0x5a: {  	[sflag:s16] =	ssyncset.done $0x0  }
0x5b: {  	[sflag:s16] =	ssyncadd.s32 $0xFFFF8000  }
0x5c: {  	[tilespmem:s7], [sflag:$0x1] =	stream.indirect.gather [hbm4b:s1+s6], $0x80, s17, s6, $0xb8;
	[tilespmem:$0x10400] =	vst v63  }
0x5d: {  	_ = 	snop  }
0x5e: {  	[tilespmem:s8], [sflag:$0x1] =	stream.indirect.gather [hbm4b:s1+s6], $0x80, s18, s6, $0xb8;
	[tilespmem:$0x10400] =	vst v63  }
0x5f: {  	_ =	swait.ge [sflag:s9], $0x4000  }
0x60: {  	[sflag:s9] =	ssyncset.done $0x0  }
0x61: {  	[sflag:s9] =	ssyncadd.s32 $0xFFFFC000  }
0x62: {  	_ =	swait.ge [sflag:s9], $0x4000  }
0x63: {  	[sflag:s9] =	ssyncset.done $0x0  }
0x64: {  	[sflag:s9] =	ssyncadd.s32 $0xFFFFC000  }
0x65: {  	[hbm4b:s20+s3] =	stream.linear.scatter [tilespmem:s7], [sflag:$0x2], $0x8000, $0x38;
	[tilespmem:$0x10400] =	vst v63  }
0x66: {  	_ =	swait.ge [sflag:s19], $0x8000  }
0x67: {  	[sflag:s19] =	ssyncset.done $0x0  }
0x68: {  	[sflag:s19] =	ssyncadd.s32 $0xFFFF8000  }
0x69: {  	[tilespmem:s12], [sflag:$0x1] =	stream.indirect.gather [hbm4b:s1+s6], $0x80, s21, s6, $0xb8;
	[tilespmem:$0x10400] =	vst v63  }
0x6a: {  	_ = 	snop  }
0x6b: {  	[tilespmem:s14], [sflag:$0x1] =	stream.indirect.gather [hbm4b:s1+s6], $0x80, s22, s6, $0xb8;
	[tilespmem:$0x10400] =	vst v63  }
0x6c: {  	_ =	swait.ge [sflag:s9], $0x4000  }
0x6d: {  	[sflag:s9] =	ssyncset.done $0x0  }
0x6e: {  	[sflag:s9] =	ssyncadd.s32 $0xFFFFC000  }
0x6f: {  	_ =	swait.ge [sflag:s9], $0x4000  }
0x70: {  	[sflag:s9] =	ssyncset.done $0x0  }
0x71: {  	[sflag:s9] =	ssyncadd.s32 $0xFFFFC000  }
0x72: {  	[hbm4b:s23+s3] =	stream.linear.scatter [tilespmem:s12], [sflag:$0x3], $0x8000, $0x38;
	[tilespmem:$0x10400] =	vst v63  }
.Ltmp1:
0x73: {  	_ =	swait.ge [sflag:s16], $0x8000;
	(pc) =	sbr.rel @p0 .LBB2_1-.Ltmp1, $4  }
0x74: {  	[sflag:s16] =	ssyncset.done $0x0  }
0x75: {  	[sflag:s16] =	ssyncadd.s32 $0xFFFF8000  }
0x76: {  	_ =	swait.ge [sflag:s19], $0x8000  }
0x77: {  	[sflag:s19] =	ssyncset.done $0x0  }
.LBB2_2:
0x78: {  	[sflag:s19] =	ssyncadd.s32 $0xFFFF8000  }
0x79: {  	_ =	sfence.sel $0x180000  }
0x7a: {  	[bflag:$0x0] =	sbarrier.arrive $0xFFFF  }
0x7b: {  	p0 =	sne.s32 s0, $0x0;
	_ =	strace $0x90000047  }
0x7c: {  	s0 =	sadd.s32 @!p0 $0x100000, s2;
	[bflag:$0x2] =	sbarrier.arrive $0xFFFF  }
0x7d: {  	[sflag:s0] =	ssyncadd.tile.s32 @!p0 $0x1;
	_ =	shalt  }
.Lfunc_end2:
_tile_overlayer_lowered:
.L_overlay_start_2:
0x7e: {  	(tag) =	ssettag $0x2  }
0x7f: {  	s0 =	rddreg [dreg:$0x0];
	s2 =	stileid.u32  }
0x80: {  	s1 =	rddreg [dreg:$0x1];
	p0 =	sne.s32 s2, $0x0  }
0x81: {  	s3 =	rddreg [dreg:$0x2];
	[bflag:$0x3] =	sbarrier.arrive $0xFFFF;
	s2 =	simm.s32 @!p0 $0x1C04  }
0x82: {  	[timem:s3], [sflag:s2] =	dma.local @!p0 [hbm:s0], s1  }
0x83: {  	s0 =	simm.s32 @!p0 $0x4  }
0x84: {  	_ =	swait.ge @!p0 [sflag:s0], s1  }
0x85: {  	s1 =	ssub.s32 @!p0 $0x0, s1;
	[sflag:s0] =	ssyncset.done @!p0 $0x0  }
0x86: {  	[sflag:s0] =	ssyncadd.s32 @!p0 s1  }
0x87: {  	[bflag:$0x3] =	sbarrier.arrive $0xFFFF  }
0x88: {  	_ =	shalt  }

</sc_bundles>
